<compile_context>
chip_gen: v7x
topology: tpu7x:2x2x1
jax: 0.10.2.dev20260603
libtpu: 0.0.44.dev20260713+nightly
codegen_flags: <defaults>
</compile_context>

<pallas_src>
import functools

import jax
import jax.numpy as jnp
from jax import lax
from jax.experimental import pallas as pl
from jax.experimental.pallas import tpu as pltpu
from jax.experimental.pallas import tpu_sc as plsc

NC = 2
NS = 16
NW = NC * NS
CHUNK = 128


def _zmat_body(x_ref, w_ref, z_ref):
    z_ref[...] = lax.dot_general(
        x_ref[...], w_ref[...], (((1,), (1,)), ((), ())),
        preferred_element_type=jnp.float32)


def _epilogue_body(a0_ref, a1_ref, b_ref, o_ref):
    t = a0_ref[0] + a1_ref[0]
    re0 = t[:, 0:16]
    re1 = t[:, 16:32]
    im1 = t[:, 32:48]
    m0 = jnp.sqrt(jnp.maximum(re0 * re0, 1e-12))
    m1 = jnp.sqrt(jnp.maximum(re1 * re1 + im1 * im1, 1e-12))
    logits = m0 + m1 + b_ref[...]
    mx = jnp.max(logits, axis=1, keepdims=True)
    lse = mx + jnp.log(jnp.sum(jnp.exp(logits - mx), axis=1, keepdims=True))
    o_ref[...] = logits - lse


def _make_sc_kernel(n_pad, cka, ckb, pc_rows):
    rows_per = n_pad // NS
    hpc = cka * CHUNK // 2
    mesh = plsc.VectorSubcoreMesh(core_axis_name="c", subcore_axis_name="s")

    @functools.partial(
        pl.kernel, mesh=mesh,
        compiler_params=pltpu.CompilerParams(use_tc_tiling_on_sc=False),
        out_type=jax.ShapeDtypeStruct((NC, n_pad, 48), jnp.float32),
        scratch_types=[
            pltpu.VMEM((cka + 2, CHUNK), jnp.int32),
            pltpu.VMEM((cka + 2, CHUNK), jnp.int32),
            pltpu.VMEM((hpc * 16,), jnp.float32),
            pltpu.VMEM((CHUNK, 64), jnp.float32),
            pltpu.VMEM((CHUNK, 64), jnp.float32),
            pltpu.VMEM((CHUNK, 48), jnp.float32),
            pltpu.VMEM_SHARED((n_pad, 48), jnp.float32),
            pltpu.SemaphoreType.DMA,
            pltpu.SemaphoreType.DMA,
        ],
    )
    def sc_kernel(src_hbm, dst_hbm, pc_hbm, z_hbm, zeros_hbm, out_hbm,
                  siv, div, pva, zv0, zv1, mv, acc, gsem0, gsem1):
        c = lax.axis_index("c")
        s = lax.axis_index("s")
        nch = jnp.where(c == 0, cka, ckb)

        tile_row = pl.multiple_of(
            jnp.where(c == 0, s * cka, NS * cka + s * ckb), 8)
        pltpu.sync_copy(src_hbm.at[pl.ds(tile_row, cka + 2)], siv)
        pltpu.sync_copy(dst_hbm.at[pl.ds(tile_row, cka + 2)], div)
        pva_off = jnp.minimum(tile_row * (CHUNK // 2), pc_rows - hpc)
        local_pc = tile_row * (CHUNK // 2) - pva_off
        pltpu.sync_copy(
            pc_hbm.at[pl.ds(pl.multiple_of(pva_off * 16, 16), hpc * 16)], pva)
        row0 = pl.multiple_of(s * rows_per, rows_per)
        pltpu.sync_copy(zeros_hbm.at[pl.ds(row0, rows_per)],
                        acc.at[pl.ds(row0, rows_per)])
        plsc.subcore_barrier()

        pltpu.async_copy(z_hbm.at[div.at[0]], zv0, gsem0)
        pltpu.async_copy(z_hbm.at[div.at[1]], zv1, gsem1)

        def pair_body(t, carry):
            for k, zvp, gsem in ((0, zv0, gsem0), (1, zv1, gsem1)):
                cr = 2 * t + k
                pltpu.make_async_copy(z_hbm.at[div.at[cr]], zvp, gsem).wait()
                pbase = jnp.minimum(local_pc + cr * (CHUNK // 2),
                                    hpc - CHUNK // 2)

                def edge_body(i, carry2):
                    row = pva[pl.ds(pl.multiple_of((pbase + i) * 16, 16), 16)]
                    for half in range(2):
                        e = 2 * i + half
                        q = 8 * half
                        z00 = zvp[e, pl.ds(0, 16)]
                        z01 = zvp[e, pl.ds(16, 16)]
                        z10 = zvp[e, pl.ds(32, 16)]
                        z11 = zvp[e, pl.ds(48, 16)]
                        mv[e, pl.ds(0, 16)] = (row[q + 0] * z00
                                               + row[q + 2] * z01)
                        mv[e, pl.ds(16, 16)] = (row[q + 4] * z10
                                                + row[q + 6] * z11)
                        mv[e, pl.ds(32, 16)] = (row[q + 5] * z10
                                                + row[q + 7] * z11)
                    return carry2

                lax.fori_loop(0, CHUNK // 2, edge_body, 0)
                pltpu.async_copy(z_hbm.at[div.at[cr + 2]], zvp, gsem)
                pltpu.sync_copy(mv, acc.at[siv.at[cr]], add=True)
            return carry

        lax.fori_loop(0, nch // 2, pair_body, 0)
        pltpu.make_async_copy(z_hbm.at[div.at[nch]], zv0, gsem0).wait()
        pltpu.make_async_copy(z_hbm.at[div.at[nch + 1]], zv1, gsem1).wait()
        plsc.subcore_barrier()

        pltpu.sync_copy(acc.at[pl.ds(row0, rows_per)],
                        out_hbm.at[c, pl.ds(row0, rows_per)])

    return sc_kernel


def kernel(x, edge_index, precomp, connection, radial_profile, bias):
    del connection
    n, f_in = x.shape
    e = edge_index.shape[1]

    ept = 2 * (-(-e // (NW * CHUNK * 2)))
    e_pad = ept * NW * CHUNK
    n_pad = -(-(n + 1) // (NS * 8)) * (NS * 8)
    per_s = 2 * ept
    cka = max(8, min((per_s * 3 // 5) // 8 * 8, per_s - 8))
    ckb = per_s - cka
    pad = e_pad + 24 * CHUNK - e
    src = jnp.concatenate(
        [edge_index[0], jnp.full((pad,), n, jnp.int32)]).reshape(-1, CHUNK)
    dst = jnp.concatenate(
        [edge_index[1], jnp.zeros((pad,), jnp.int32)]).reshape(-1, CHUNK)
    pc = jnp.concatenate(
        [precomp.reshape(e, 8), jnp.zeros((pad, 8), jnp.float32)]).ravel()
    w = radial_profile[:2].reshape(64, f_in)
    zeros = jnp.zeros((n_pad, 48), jnp.float32)

    blk = 1000
    z = pl.pallas_call(
        _zmat_body,
        grid=(n // blk,),
        in_specs=[pl.BlockSpec((blk, f_in), lambda i: (i, 0)),
                  pl.BlockSpec((64, f_in), lambda i: (0, 0))],
        out_specs=pl.BlockSpec((blk, 64), lambda i: (i, 0)),
        out_shape=jax.ShapeDtypeStruct((n, 64), jnp.float32),
    )(x, w)

    acc2 = _make_sc_kernel(n_pad, cka, ckb,
                           (e + pad) // 2)(src, dst, pc, z, zeros)

    out = pl.pallas_call(
        _epilogue_body,
        grid=(n // blk,),
        in_specs=[pl.BlockSpec((1, blk, 48), lambda i: (0, i, 0)),
                  pl.BlockSpec((1, blk, 48), lambda i: (1, i, 0)),
                  pl.BlockSpec((1, 16), lambda i: (0, 0))],
        out_specs=pl.BlockSpec((blk, 16), lambda i: (i, 0)),
        out_shape=jax.ShapeDtypeStruct((n, 16), jnp.float32),
    )(acc2, acc2, bias.reshape(1, 16))
    return out

# --- scband reference (transcript-rebuilt; emitter-appended) ---
"""Pipeline reference for scband-harmonic-net-5360119186073 (READ-ONLY COPY).

The authoritative reference and input builder live on the scoring server;
editing this copy changes nothing except your own understanding.
"""

import jax, jax.numpy as jnp
import numpy as np

N = 10000
E = 160000
F_IN = 128
R = 2
MAX_ORDER = 1
PREV_ORDER = 1
O = 16
EPS = 1e-12


def _complex_product(a_re, a_im, b_re, b_im):
    return a_re * b_re - a_im * b_im, a_re * b_im + a_im * b_re


def setup_inputs(seed: int = 0):
    key = jax.random.key(seed)
    ks = jax.random.split(key, 6)
    x = jax.random.normal(ks[0], (N, F_IN), dtype=jnp.float32)
    edge_index = jax.random.randint(ks[1], (2, E), 0, N, dtype=jnp.int32)
    precomp = jax.random.normal(ks[2], (E, MAX_ORDER + 1, R, 2), dtype=jnp.float32)
    connection = jax.random.normal(ks[3], (E, 2), dtype=jnp.float32)
    n_orders = (PREV_ORDER + 1) * (MAX_ORDER + 1)
    std = float(np.sqrt(6.0 / (O + F_IN)))
    radial_profile = jax.random.uniform(ks[4], (n_orders, R, O, F_IN), dtype=jnp.float32, minval=-std, maxval=std)
    bias = jnp.zeros((O,), dtype=jnp.float32)
    return {"x": x, "edge_index": edge_index, "precomp": precomp, "connection": connection, "radial_profile": radial_profile, "bias": bias}


def reference(x, edge_index, precomp, connection, radial_profile, bias):
    # HarmonicNet.forward: x -> complex stack with zero imaginary part, single input order stream
    src = edge_index[0]
    dst = edge_index[1]
    x4 = jnp.stack((x, jnp.zeros_like(x)), axis=-1)[:, None, :, :]  # [N, 1, F, 2]
    # flow='target_to_source': x_j = x[edge_index[1]], aggregate into edge_index[0]
    x_j = jnp.take(x4, dst, axis=0)  # [E, M, F, 2]
    M = x_j.shape[1]
    aggr = {}
    for io in range(M):
        a_re = x_j[:, io, None, :, 0]  # [E, 1, F]
        a_im = x_j[:, io, None, :, 1]
        if io > 0:
            rot_re = connection[:, None, None, 0]
            rot_im = connection[:, None, None, 1]
            a_re, a_im = _complex_product(a_re, a_im, rot_re, rot_im)
        for oo in range(MAX_ORDER + 1):
            m = oo - io
            sign = float(np.sign(m))
            mm = abs(m)
            b_re = precomp[:, mm, :, 0][:, :, None]  # [E, R, 1]
            b_im = sign * precomp[:, mm, :, 1][:, :, None]
            msg_re, msg_im = _complex_product(a_re, a_im, b_re, b_im)  # [E, R, F]
            agg_re = jax.ops.segment_sum(msg_re, src, num_segments=N)  # [N, R, F]
            agg_im = jax.ops.segment_sum(msg_im, src, num_segments=N)
            aggr[(io, oo)] = (agg_re, agg_im)
    per_io = []
    for io in range(M):
        per_oo = []
        for oo in range(MAX_ORDER + 1):
            m_idx = io * (MAX_ORDER + 1) + oo  # separate_streams=True
            agg_re, agg_im = aggr[(io, oo)]
            w = radial_profile[m_idx]  # [R, O, F]
            # (radial * aggr).sum over rings, then sum over in_channels (offset=False)
            out_re = jnp.einsum('nrf,rof->no', agg_re, w)
            out_im = jnp.einsum('nrf,rof->no', agg_im, w)
            per_oo.append(jnp.stack((out_re, out_im), axis=-1))  # [N, O, 2]
        per_io.append(jnp.stack(per_oo, axis=1))  # [N, max_order+1, O, 2]
    res = jnp.stack(per_io, axis=1).sum(axis=1)  # sum over input_order streams
    # magnitudes(keepdim=False)
    r = jnp.sum(res * res, axis=-1)
    mags = jnp.sqrt(jnp.maximum(r, EPS))
    logits = mags.sum(axis=1) + bias
    return jax.nn.log_softmax(logits, axis=1)

if __name__ == "__main__":
    import jax
    _d = setup_inputs()
    print(jax.jit(kernel)(*tuple(_d.values())))

</pallas_src>

<mosaic_0001>
#map = affine_map<(d0, d1) -> (0, 0)>
#map1 = affine_map<(d0, d1) -> (0)>
#map2 = affine_map<(d0, d1) -> (0, 0, 0)>
module attributes {stable_mosaic.version = 14 : i64} {
  func.func @sc_kernel(%arg0: i32, %arg1: i32, %arg2: memref<1304x128xi32, #tpu.memory_space<hbm>>, %arg3: memref<1304x128xi32, #tpu.memory_space<hbm>>, %arg4: memref<1335296xf32, #tpu.memory_space<hbm>>, %arg5: memref<10000x64xf32, #tpu.memory_space<hbm>>, %arg6: memref<10112x48xf32, #tpu.memory_space<hbm>>, %arg7: memref<2x10112x48xf32, #tpu.memory_space<hbm>>, %arg8: memref<50x128xi32, #tpu.memory_space<vmem>>, %arg9: memref<50x128xi32, #tpu.memory_space<vmem>>, %arg10: memref<49152xf32, #tpu.memory_space<vmem>>, %arg11: memref<128x64xf32, #tpu.memory_space<vmem>>, %arg12: memref<128x64xf32, #tpu.memory_space<vmem>>, %arg13: memref<128x48xf32, #tpu.memory_space<vmem>>, %arg14: memref<10112x48xf32, #tpu.memory_space<vmem_shared>>, %arg15: memref<!tpu.dma_semaphore, #tpu.memory_space<semaphore_mem>>, %arg16: memref<!tpu.dma_semaphore, #tpu.memory_space<semaphore_mem>>) attributes {dimension_semantics = [#tpu.dimension_semantics<core_parallel>, #tpu.dimension_semantics<subcore_parallel>], iteration_bounds = array<i64: 2, 16>, scalar_prefetch = 0 : i64, scratch_operands = 9 : i64, tpu.core_type = #tpu.core_type<sc_vector_subcore>, window_params = [{transform_indices = #map}, {transform_indices = #map}, {transform_indices = #map1}, {transform_indices = #map}, {transform_indices = #map}, {transform_indices = #map2}]} {
    %eq3A = arith.constant 0 : i32
    %eq3A_0 = arith.cmpi eq, %arg0, %eq3A : i32
    %jit3A = arith.constant 48 : i32
    %jit3A_1 = arith.constant 32 : i32
    %select_n3A = arith.select %eq3A_0, %jit3A, %jit3A_1 : i32
    %eq3A_2 = arith.constant 0 : i32
    %eq3A_3 = arith.cmpi eq, %arg0, %eq3A_2 : i32
    %mul3A = arith.constant 48 : i32
    %mul3A_4 = arith.muli %arg1, %mul3A : i32
    %mul3A_5 = arith.constant 32 : i32
    %mul3A_6 = arith.muli %arg1, %mul3A_5 : i32
    %add3A = arith.constant 768 : i32
    %add3A_7 = arith.addi %add3A, %mul3A_6 : i32
    %select_n3A_8 = arith.select %eq3A_3, %mul3A_4, %add3A_7 : i32
    %multiple_of3A = tpu.assume_multiple %select_n3A_8, 8 : i32
    "tpu.region"() ({
      %run_scoped3A = tpu.sem_alloc : memref<!tpu.dma_semaphore, #tpu.memory_space<semaphore_mem>>
      %dma_start3A_75 = arith.constant 0 : i32
      %dma_start3A_76 = tpu.memref_slice %arg2[%multiple_of3A, %dma_start3A_75] : memref<1304x128xi32, #tpu.memory_space<hbm>> -> memref<50x128xi32, #tpu.memory_space<hbm>>
      %dma_start3A_77 = arith.constant 0 : i32
      %dma_start3A_78 = tpu.memref_slice %arg2[%multiple_of3A, %dma_start3A_77] : memref<1304x128xi32, #tpu.memory_space<hbm>> -> memref<50x128xi32, #tpu.memory_space<hbm>>
      tpu.enqueue_dma source(%dma_start3A_78 : memref<50x128xi32, #tpu.memory_space<hbm>>) target(%arg8 : memref<50x128xi32, #tpu.memory_space<vmem>>) target_semaphore(%run_scoped3A : memref<!tpu.dma_semaphore, #tpu.memory_space<semaphore_mem>>)
      %dma_wait3A_79 = arith.constant 0 : i32
      %dma_wait3A_80 = tpu.memref_slice %arg2[%multiple_of3A, %dma_wait3A_79] : memref<1304x128xi32, #tpu.memory_space<hbm>> -> memref<50x128xi32, #tpu.memory_space<hbm>>
      %dma_wait3A_81 = arith.constant 0 : i32
      %dma_wait3A_82 = tpu.memref_slice %arg2[%multiple_of3A, %dma_wait3A_81] : memref<1304x128xi32, #tpu.memory_space<hbm>> -> memref<50x128xi32, #tpu.memory_space<hbm>>
      tpu.wait_dma2 semaphore(%run_scoped3A : memref<!tpu.dma_semaphore, #tpu.memory_space<semaphore_mem>>) src(%dma_wait3A_82 : memref<50x128xi32, #tpu.memory_space<hbm>>) dst(%arg8 : memref<50x128xi32, #tpu.memory_space<vmem>>)
      tpu.yield
    }) : () -> ()
    "tpu.region"() ({
      %run_scoped3A = tpu.sem_alloc : memref<!tpu.dma_semaphore, #tpu.memory_space<semaphore_mem>>
      %dma_start3A_75 = arith.constant 0 : i32
      %dma_start3A_76 = tpu.memref_slice %arg3[%multiple_of3A, %dma_start3A_75] : memref<1304x128xi32, #tpu.memory_space<hbm>> -> memref<50x128xi32, #tpu.memory_space<hbm>>
      %dma_start3A_77 = arith.constant 0 : i32
      %dma_start3A_78 = tpu.memref_slice %arg3[%multiple_of3A, %dma_start3A_77] : memref<1304x128xi32, #tpu.memory_space<hbm>> -> memref<50x128xi32, #tpu.memory_space<hbm>>
      tpu.enqueue_dma source(%dma_start3A_78 : memref<50x128xi32, #tpu.memory_space<hbm>>) target(%arg9 : memref<50x128xi32, #tpu.memory_space<vmem>>) target_semaphore(%run_scoped3A : memref<!tpu.dma_semaphore, #tpu.memory_space<semaphore_mem>>)
      %dma_wait3A_79 = arith.constant 0 : i32
      %dma_wait3A_80 = tpu.memref_slice %arg3[%multiple_of3A, %dma_wait3A_79] : memref<1304x128xi32, #tpu.memory_space<hbm>> -> memref<50x128xi32, #tpu.memory_space<hbm>>
      %dma_wait3A_81 = arith.constant 0 : i32
      %dma_wait3A_82 = tpu.memref_slice %arg3[%multiple_of3A, %dma_wait3A_81] : memref<1304x128xi32, #tpu.memory_space<hbm>> -> memref<50x128xi32, #tpu.memory_space<hbm>>
      tpu.wait_dma2 semaphore(%run_scoped3A : memref<!tpu.dma_semaphore, #tpu.memory_space<semaphore_mem>>) src(%dma_wait3A_82 : memref<50x128xi32, #tpu.memory_space<hbm>>) dst(%arg9 : memref<50x128xi32, #tpu.memory_space<vmem>>)
      tpu.yield
    }) : () -> ()
    %mul3A_9 = arith.constant 64 : i32
    %mul3A_10 = arith.muli %multiple_of3A, %mul3A_9 : i32
    %min3A = arith.constant 80384 : i32
    %min3A_11 = arith.minsi %mul3A_10, %min3A : i32
    %mul3A_12 = arith.constant 64 : i32
    %mul3A_13 = arith.muli %multiple_of3A, %mul3A_12 : i32
    %sub3A = arith.subi %mul3A_13, %min3A_11 : i32
    %mul3A_14 = arith.constant 16 : i32
    %mul3A_15 = arith.muli %min3A_11, %mul3A_14 : i32
    %multiple_of3A_16 = tpu.assume_multiple %mul3A_15, 16 : i32
    "tpu.region"() ({
      %run_scoped3A = tpu.sem_alloc : memref<!tpu.dma_semaphore, #tpu.memory_space<semaphore_mem>>
      %dma_start3A_75 = tpu.memref_slice %arg4[%multiple_of3A_16] : memref<1335296xf32, #tpu.memory_space<hbm>> -> memref<49152xf32, #tpu.memory_space<hbm>>
      %dma_start3A_76 = tpu.memref_slice %arg4[%multiple_of3A_16] : memref<1335296xf32, #tpu.memory_space<hbm>> -> memref<49152xf32, #tpu.memory_space<hbm>>
      tpu.enqueue_dma source(%dma_start3A_76 : memref<49152xf32, #tpu.memory_space<hbm>>) target(%arg10 : memref<49152xf32, #tpu.memory_space<vmem>>) target_semaphore(%run_scoped3A : memref<!tpu.dma_semaphore, #tpu.memory_space<semaphore_mem>>)
      %dma_wait3A_77 = tpu.memref_slice %arg4[%multiple_of3A_16] : memref<1335296xf32, #tpu.memory_space<hbm>> -> memref<49152xf32, #tpu.memory_space<hbm>>
      %dma_wait3A_78 = tpu.memref_slice %arg4[%multiple_of3A_16] : memref<1335296xf32, #tpu.memory_space<hbm>> -> memref<49152xf32, #tpu.memory_space<hbm>>
      tpu.wait_dma2 semaphore(%run_scoped3A : memref<!tpu.dma_semaphore, #tpu.memory_space<semaphore_mem>>) src(%dma_wait3A_78 : memref<49152xf32, #tpu.memory_space<hbm>>) dst(%arg10 : memref<49152xf32, #tpu.memory_space<vmem>>)
      tpu.yield
    }) : () -> ()
    %mul3A_17 = arith.constant 632 : i32
    %mul3A_18 = arith.muli %arg1, %mul3A_17 : i32
    %multiple_of3A_19 = tpu.assume_multiple %mul3A_18, 632 : i32
    "tpu.region"() ({
      %run_scoped3A = tpu.sem_alloc : memref<!tpu.dma_semaphore, #tpu.memory_space<semaphore_mem>>
      %dma_start3A_75 = arith.constant 0 : i32
      %dma_start3A_76 = tpu.memref_slice %arg14[%multiple_of3A_19, %dma_start3A_75] : memref<10112x48xf32, #tpu.memory_space<vmem_shared>> -> memref<632x48xf32, #tpu.memory_space<vmem_shared>>
      %dma_start3A_77 = arith.constant 0 : i32
      %dma_start3A_78 = tpu.memref_slice %arg6[%multiple_of3A_19, %dma_start3A_77] : memref<10112x48xf32, #tpu.memory_space<hbm>> -> memref<632x48xf32, #tpu.memory_space<hbm>>
      tpu.enqueue_dma source(%dma_start3A_78 : memref<632x48xf32, #tpu.memory_space<hbm>>) target(%dma_start3A_76 : memref<632x48xf32, #tpu.memory_space<vmem_shared>>) target_semaphore(%run_scoped3A : memref<!tpu.dma_semaphore, #tpu.memory_space<semaphore_mem>>)
      %dma_wait3A_79 = arith.constant 0 : i32
      %dma_wait3A_80 = tpu.memref_slice %arg14[%multiple_of3A_19, %dma_wait3A_79] : memref<10112x48xf32, #tpu.memory_space<vmem_shared>> -> memref<632x48xf32, #tpu.memory_space<vmem_shared>>
      %dma_wait3A_81 = arith.constant 0 : i32
      %dma_wait3A_82 = tpu.memref_slice %arg6[%multiple_of3A_19, %dma_wait3A_81] : memref<10112x48xf32, #tpu.memory_space<hbm>> -> memref<632x48xf32, #tpu.memory_space<hbm>>
      tpu.wait_dma2 semaphore(%run_scoped3A : memref<!tpu.dma_semaphore, #tpu.memory_space<semaphore_mem>>) src(%dma_wait3A_82 : memref<632x48xf32, #tpu.memory_space<hbm>>) dst(%dma_wait3A_80 : memref<632x48xf32, #tpu.memory_space<vmem_shared>>)
      tpu.yield
    }) : () -> ()
    %barrier3A = arith.constant 0 : index
    tpu.barrier barrier_id(%barrier3A)
    %dma_start3A = arith.constant 0 : i32
    %dma_start3A_20 = arith.constant 0 : i32
    %dma_start3A_21 = tpu.memref_slice %arg9[%dma_start3A, %dma_start3A_20] : memref<50x128xi32, #tpu.memory_space<vmem>> -> memref<1x128xi32, #tpu.memory_space<vmem>>
    %dma_start3A_22 = tpu.memref_squeeze %dma_start3A_21 : memref<1x128xi32, #tpu.memory_space<vmem>> -> memref<128xi32, #tpu.memory_space<vmem>>
    %dma_start3A_23 = arith.constant 0 : i32
    %dma_start3A_24 = arith.constant 0 : i32
    %dma_start3A_25 = tpu.memref_slice %arg5[%dma_start3A_23, %dma_start3A_24] : memref<10000x64xf32, #tpu.memory_space<hbm>> -> memref<10000x64xf32, #tpu.memory_space<hbm>>
    tpu.enqueue_indirect_dma source(%dma_start3A_25 : memref<10000x64xf32, #tpu.memory_space<hbm>>) target(%arg11 : memref<128x64xf32, #tpu.memory_space<vmem>>) offsets(%dma_start3A_22 : memref<128xi32, #tpu.memory_space<vmem>>) semaphore(%arg15 : memref<!tpu.dma_semaphore, #tpu.memory_space<semaphore_mem>>)
    %dma_start3A_26 = arith.constant 1 : i32
    %dma_start3A_27 = arith.constant 0 : i32
    %dma_start3A_28 = tpu.memref_slice %arg9[%dma_start3A_26, %dma_start3A_27] : memref<50x128xi32, #tpu.memory_space<vmem>> -> memref<1x128xi32, #tpu.memory_space<vmem>>
    %dma_start3A_29 = tpu.memref_squeeze %dma_start3A_28 : memref<1x128xi32, #tpu.memory_space<vmem>> -> memref<128xi32, #tpu.memory_space<vmem>>
    %dma_start3A_30 = arith.constant 0 : i32
    %dma_start3A_31 = arith.constant 0 : i32
    %dma_start3A_32 = tpu.memref_slice %arg5[%dma_start3A_30, %dma_start3A_31] : memref<10000x64xf32, #tpu.memory_space<hbm>> -> memref<10000x64xf32, #tpu.memory_space<hbm>>
    tpu.enqueue_indirect_dma source(%dma_start3A_32 : memref<10000x64xf32, #tpu.memory_space<hbm>>) target(%arg12 : memref<128x64xf32, #tpu.memory_space<vmem>>) offsets(%dma_start3A_29 : memref<128xi32, #tpu.memory_space<vmem>>) semaphore(%arg16 : memref<!tpu.dma_semaphore, #tpu.memory_space<semaphore_mem>>)
    %jit3A_33 = arith.constant 2 : i32
    %div3A = arith.divsi %select_n3A, %jit3A_33 : i32
    %sign3A = arith.constant 0 : i32
    %sign3A_34 = arith.cmpi sgt, %select_n3A, %sign3A : i32
    %sign3A_35 = arith.extui %sign3A_34 : i1 to i32
    %sign3A_36 = arith.constant 0 : i32
    %sign3A_37 = arith.cmpi slt, %select_n3A, %sign3A_36 : i32
    %sign3A_38 = arith.extui %sign3A_37 : i1 to i32
    %sign3A_39 = arith.subi %sign3A_35, %sign3A_38 : i32
    %sign3A_40 = arith.constant 0 : i32
    %sign3A_41 = arith.cmpi sgt, %jit3A_33, %sign3A_40 : i32
    %sign3A_42 = arith.extui %sign3A_41 : i1 to i32
    %sign3A_43 = arith.constant 0 : i32
    %sign3A_44 = arith.cmpi slt, %jit3A_33, %sign3A_43 : i32
    %sign3A_45 = arith.extui %sign3A_44 : i1 to i32
    %sign3A_46 = arith.subi %sign3A_42, %sign3A_45 : i32
    %ne3A = arith.cmpi ne, %sign3A_39, %sign3A_46 : i32
    %rem3A = arith.remsi %select_n3A, %jit3A_33 : i32
    %ne3A_47 = arith.constant 0 : i32
    %ne3A_48 = arith.cmpi ne, %rem3A, %ne3A_47 : i32
    %and3A = arith.andi %ne3A, %ne3A_48 : i1
    %sub3A_49 = arith.constant 1 : i32
    %sub3A_50 = arith.subi %div3A, %sub3A_49 : i32
    %select_n3A_51 = arith.select %and3A, %sub3A_50, %div3A : i32
    %while3A = arith.constant 0 : i32
    %while3A_52 = arith.constant 0 : i32
    %while3A_53 = arith.subi %select_n3A_51, %while3A_52 : i32
    %while3A_54 = arith.addi %while3A_52, %while3A_53 : i32
    %while3A_55 = arith.constant 1 : i32
    %while3A_56 = arith.divsi %while3A_53, %while3A_55 : i32
    %while3A_57 = arith.muli %while3A_56, %while3A_55 : i32
    %while3A_58 = arith.addi %while3A_52, %while3A_57 : i32
    %while3A_59 = arith.constant 1 : i32
    scf.for %while3A_75 = %while3A_52 to %while3A_58 step %while3A_59  : i32 {
      %mul3A_76 = arith.constant 2 : i32
      %mul3A_77 = arith.muli %mul3A_76, %while3A_75 : i32
      %add3A_78 = arith.constant 0 : i32
      %add3A_79 = arith.addi %mul3A_77, %add3A_78 : i32
      %dma_wait3A_80 = arith.constant 0 : i32
      %dma_wait3A_81 = tpu.memref_slice %arg9[%add3A_79, %dma_wait3A_80] : memref<50x128xi32, #tpu.memory_space<vmem>> -> memref<1x128xi32, #tpu.memory_space<vmem>>
      %dma_wait3A_82 = tpu.memref_squeeze %dma_wait3A_81 : memref<1x128xi32, #tpu.memory_space<vmem>> -> memref<128xi32, #tpu.memory_space<vmem>>
      %dma_wait3A_83 = arith.constant 0 : i32
      %dma_wait3A_84 = arith.constant 0 : i32
      %dma_wait3A_85 = tpu.memref_slice %arg5[%dma_wait3A_83, %dma_wait3A_84] : memref<10000x64xf32, #tpu.memory_space<hbm>> -> memref<10000x64xf32, #tpu.memory_space<hbm>>
      tpu.wait_indirect_dma semaphore(%arg15 : memref<!tpu.dma_semaphore, #tpu.memory_space<semaphore_mem>>) src(%dma_wait3A_85 : memref<10000x64xf32, #tpu.memory_space<hbm>>) dst(%arg11 : memref<128x64xf32, #tpu.memory_space<vmem>>)
      %mul3A_86 = arith.constant 64 : i32
      %mul3A_87 = arith.muli %add3A_79, %mul3A_86 : i32
      %add3A_88 = arith.addi %sub3A, %mul3A_87 : i32
      %min3A_89 = arith.constant 3008 : i32
      %min3A_90 = arith.minsi %add3A_88, %min3A_89 : i32
      %scan3A = arith.constant 0 : i32
      %scan3A_91 = arith.constant 0 : i32
      %scan3A_92 = arith.constant 64 : i32
      %scan3A_93 = arith.addi %scan3A_91, %scan3A_92 : i32
      %scan3A_94 = arith.constant 1 : i32
      scf.for %scan3A_133 = %scan3A_91 to %scan3A_93 step %scan3A_94  : i32 {
        %add3A_134 = arith.addi %min3A_90, %scan3A_133 : i32
        %mul3A_135 = arith.constant 16 : i32
        %mul3A_136 = arith.muli %add3A_134, %mul3A_135 : i32
        %multiple_of3A_137 = tpu.assume_multiple %mul3A_136, 16 : i32
        %get3A = arith.index_cast %multiple_of3A_137 : i32 to index
        %get3A_138 = tpu.vector_load %arg10[%get3A] {strides = array<i32>} : memref<49152xf32, #tpu.memory_space<vmem>>, vector<16xf32>,
        %get3A_139 = vector.shape_cast %get3A_138 : vector<16xf32> to vector<16xf32>
        %mul3A_140 = arith.constant 2 : i32
        %mul3A_141 = arith.muli %mul3A_140, %scan3A_133 : i32
        %add3A_142 = arith.constant 0 : i32
        %add3A_143 = arith.addi %mul3A_141, %add3A_142 : i32
        %get3A_144 = arith.index_cast %add3A_143 : i32 to index
        %get3A_145 = arith.constant 0 : index
        %get3A_146 = tpu.vector_load %arg11[%get3A_144, %get3A_145] {strides = array<i32>} : memref<128x64xf32, #tpu.memory_space<vmem>>, vector<1x16xf32>,
        %get3A_147 = vector.shape_cast %get3A_146 : vector<1x16xf32> to vector<16xf32>
        %get3A_148 = arith.index_cast %add3A_143 : i32 to index
        %get3A_149 = arith.constant 16 : index
        %get3A_150 = tpu.vector_load %arg11[%get3A_148, %get3A_149] {strides = array<i32>} : memref<128x64xf32, #tpu.memory_space<vmem>>, vector<1x16xf32>,
        %get3A_151 = vector.shape_cast %get3A_150 : vector<1x16xf32> to vector<16xf32>
        %get3A_152 = arith.index_cast %add3A_143 : i32 to index
        %get3A_153 = arith.constant 32 : index
        %get3A_154 = tpu.vector_load %arg11[%get3A_152, %get3A_153] {strides = array<i32>} : memref<128x64xf32, #tpu.memory_space<vmem>>, vector<1x16xf32>,
        %get3A_155 = vector.shape_cast %get3A_154 : vector<1x16xf32> to vector<16xf32>
        %get3A_156 = arith.index_cast %add3A_143 : i32 to index
        %get3A_157 = arith.constant 48 : index
        %get3A_158 = tpu.vector_load %arg11[%get3A_156, %get3A_157] {strides = array<i32>} : memref<128x64xf32, #tpu.memory_space<vmem>>, vector<1x16xf32>,
        %get3A_159 = vector.shape_cast %get3A_158 : vector<1x16xf32> to vector<16xf32>
        %slice3A = vector.extract_strided_slice %get3A_139 {offsets = [0], sizes = [1], strides = [1]} : vector<16xf32> to vector<1xf32>
        %squeeze3A = vector.extract %slice3A[0] : f32 from vector<1xf32>
        %mul3A_160 = vector.broadcast %squeeze3A : f32 to vector<16xf32>
        %mul3A_161 = arith.mulf %mul3A_160, %get3A_147 : vector<16xf32>
        %slice3A_162 = vector.extract_strided_slice %get3A_139 {offsets = [2], sizes = [1], strides = [1]} : vector<16xf32> to vector<1xf32>
        %squeeze3A_163 = vector.extract %slice3A_162[0] : f32 from vector<1xf32>
        %mul3A_164 = vector.broadcast %squeeze3A_163 : f32 to vector<16xf32>
        %mul3A_165 = arith.mulf %mul3A_164, %get3A_151 : vector<16xf32>
        %add3A_166 = arith.addf %mul3A_161, %mul3A_165 : vector<16xf32>
        %swap3A = arith.index_cast %add3A_143 : i32 to index
        %swap3A_167 = arith.constant 0 : index
        %swap3A_168 = tpu.vector_load %arg13[%swap3A, %swap3A_167] {strides = array<i32>} : memref<128x48xf32, #tpu.memory_space<vmem>>, vector<1x16xf32>,
        %swap3A_169 = vector.shape_cast %swap3A_168 : vector<1x16xf32> to vector<16xf32>
        %swap3A_170 = vector.shape_cast %add3A_166 : vector<16xf32> to vector<1x16xf32>
        tpu.vector_store %arg13[%swap3A, %swap3A_167], %swap3A_170 {strides = array<i32>} : memref<128x48xf32, #tpu.memory_space<vmem>>, vector<1x16xf32>,
        %slice3A_171 = vector.extract_strided_slice %get3A_139 {offsets = [4], sizes = [1], strides = [1]} : vector<16xf32> to vector<1xf32>
        %squeeze3A_172 = vector.extract %slice3A_171[0] : f32 from vector<1xf32>
        %mul3A_173 = vector.broadcast %squeeze3A_172 : f32 to vector<16xf32>
        %mul3A_174 = arith.mulf %mul3A_173, %get3A_155 : vector<16xf32>
        %slice3A_175 = vector.extract_strided_slice %get3A_139 {offsets = [6], sizes = [1], strides = [1]} : vector<16xf32> to vector<1xf32>
        %squeeze3A_176 = vector.extract %slice3A_175[0] : f32 from vector<1xf32>
        %mul3A_177 = vector.broadcast %squeeze3A_176 : f32 to vector<16xf32>
        %mul3A_178 = arith.mulf %mul3A_177, %get3A_159 : vector<16xf32>
        %add3A_179 = arith.addf %mul3A_174, %mul3A_178 : vector<16xf32>
        %swap3A_180 = arith.index_cast %add3A_143 : i32 to index
        %swap3A_181 = arith.constant 16 : index
        %swap3A_182 = tpu.vector_load %arg13[%swap3A_180, %swap3A_181] {strides = array<i32>} : memref<128x48xf32, #tpu.memory_space<vmem>>, vector<1x16xf32>,
        %swap3A_183 = vector.shape_cast %swap3A_182 : vector<1x16xf32> to vector<16xf32>
        %swap3A_184 = vector.shape_cast %add3A_179 : vector<16xf32> to vector<1x16xf32>
        tpu.vector_store %arg13[%swap3A_180, %swap3A_181], %swap3A_184 {strides = array<i32>} : memref<128x48xf32, #tpu.memory_space<vmem>>, vector<1x16xf32>,
        %slice3A_185 = vector.extract_strided_slice %get3A_139 {offsets = [5], sizes = [1], strides = [1]} : vector<16xf32> to vector<1xf32>
        %squeeze3A_186 = vector.extract %slice3A_185[0] : f32 from vector<1xf32>
        %mul3A_187 = vector.broadcast %squeeze3A_186 : f32 to vector<16xf32>
        %mul3A_188 = arith.mulf %mul3A_187, %get3A_155 : vector<16xf32>
        %slice3A_189 = vector.extract_strided_slice %get3A_139 {offsets = [7], sizes = [1], strides = [1]} : vector<16xf32> to vector<1xf32>
        %squeeze3A_190 = vector.extract %slice3A_189[0] : f32 from vector<1xf32>
        %mul3A_191 = vector.broadcast %squeeze3A_190 : f32 to vector<16xf32>
        %mul3A_192 = arith.mulf %mul3A_191, %get3A_159 : vector<16xf32>
        %add3A_193 = arith.addf %mul3A_188, %mul3A_192 : vector<16xf32>
        %swap3A_194 = arith.index_cast %add3A_143 : i32 to index
        %swap3A_195 = arith.constant 32 : index
        %swap3A_196 = tpu.vector_load %arg13[%swap3A_194, %swap3A_195] {strides = array<i32>} : memref<128x48xf32, #tpu.memory_space<vmem>>, vector<1x16xf32>,
        %swap3A_197 = vector.shape_cast %swap3A_196 : vector<1x16xf32> to vector<16xf32>
        %swap3A_198 = vector.shape_cast %add3A_193 : vector<16xf32> to vector<1x16xf32>
        tpu.vector_store %arg13[%swap3A_194, %swap3A_195], %swap3A_198 {strides = array<i32>} : memref<128x48xf32, #tpu.memory_space<vmem>>, vector<1x16xf32>,
        %mul3A_199 = arith.constant 2 : i32
        %mul3A_200 = arith.muli %mul3A_199, %scan3A_133 : i32
        %add3A_201 = arith.constant 1 : i32
        %add3A_202 = arith.addi %mul3A_200, %add3A_201 : i32
        %get3A_203 = arith.index_cast %add3A_202 : i32 to index
        %get3A_204 = arith.constant 0 : index
        %get3A_205 = tpu.vector_load %arg11[%get3A_203, %get3A_204] {strides = array<i32>} : memref<128x64xf32, #tpu.memory_space<vmem>>, vector<1x16xf32>,
        %get3A_206 = vector.shape_cast %get3A_205 : vector<1x16xf32> to vector<16xf32>
        %get3A_207 = arith.index_cast %add3A_202 : i32 to index
        %get3A_208 = arith.constant 16 : index
        %get3A_209 = tpu.vector_load %arg11[%get3A_207, %get3A_208] {strides = array<i32>} : memref<128x64xf32, #tpu.memory_space<vmem>>, vector<1x16xf32>,
        %get3A_210 = vector.shape_cast %get3A_209 : vector<1x16xf32> to vector<16xf32>
        %get3A_211 = arith.index_cast %add3A_202 : i32 to index
        %get3A_212 = arith.constant 32 : index
        %get3A_213 = tpu.vector_load %arg11[%get3A_211, %get3A_212] {strides = array<i32>} : memref<128x64xf32, #tpu.memory_space<vmem>>, vector<1x16xf32>,
        %get3A_214 = vector.shape_cast %get3A_213 : vector<1x16xf32> to vector<16xf32>
        %get3A_215 = arith.index_cast %add3A_202 : i32 to index
        %get3A_216 = arith.constant 48 : index
        %get3A_217 = tpu.vector_load %arg11[%get3A_215, %get3A_216] {strides = array<i32>} : memref<128x64xf32, #tpu.memory_space<vmem>>, vector<1x16xf32>,
        %get3A_218 = vector.shape_cast %get3A_217 : vector<1x16xf32> to vector<16xf32>
        %slice3A_219 = vector.extract_strided_slice %get3A_139 {offsets = [8], sizes = [1], strides = [1]} : vector<16xf32> to vector<1xf32>
        %squeeze3A_220 = vector.extract %slice3A_219[0] : f32 from vector<1xf32>
        %mul3A_221 = vector.broadcast %squeeze3A_220 : f32 to vector<16xf32>
        %mul3A_222 = arith.mulf %mul3A_221, %get3A_206 : vector<16xf32>
        %slice3A_223 = vector.extract_strided_slice %get3A_139 {offsets = [10], sizes = [1], strides = [1]} : vector<16xf32> to vector<1xf32>
        %squeeze3A_224 = vector.extract %slice3A_223[0] : f32 from vector<1xf32>
        %mul3A_225 = vector.broadcast %squeeze3A_224 : f32 to vector<16xf32>
        %mul3A_226 = arith.mulf %mul3A_225, %get3A_210 : vector<16xf32>
        %add3A_227 = arith.addf %mul3A_222, %mul3A_226 : vector<16xf32>
        %swap3A_228 = arith.index_cast %add3A_202 : i32 to index
        %swap3A_229 = arith.constant 0 : index
        %swap3A_230 = tpu.vector_load %arg13[%swap3A_228, %swap3A_229] {strides = array<i32>} : memref<128x48xf32, #tpu.memory_space<vmem>>, vector<1x16xf32>,
        %swap3A_231 = vector.shape_cast %swap3A_230 : vector<1x16xf32> to vector<16xf32>
        %swap3A_232 = vector.shape_cast %add3A_227 : vector<16xf32> to vector<1x16xf32>
        tpu.vector_store %arg13[%swap3A_228, %swap3A_229], %swap3A_232 {strides = array<i32>} : memref<128x48xf32, #tpu.memory_space<vmem>>, vector<1x16xf32>,
        %slice3A_233 = vector.extract_strided_slice %get3A_139 {offsets = [12], sizes = [1], strides = [1]} : vector<16xf32> to vector<1xf32>
        %squeeze3A_234 = vector.extract %slice3A_233[0] : f32 from vector<1xf32>
        %mul3A_235 = vector.broadcast %squeeze3A_234 : f32 to vector<16xf32>
        %mul3A_236 = arith.mulf %mul3A_235, %get3A_214 : vector<16xf32>
        %slice3A_237 = vector.extract_strided_slice %get3A_139 {offsets = [14], sizes = [1], strides = [1]} : vector<16xf32> to vector<1xf32>
        %squeeze3A_238 = vector.extract %slice3A_237[0] : f32 from vector<1xf32>
        %mul3A_239 = vector.broadcast %squeeze3A_238 : f32 to vector<16xf32>
        %mul3A_240 = arith.mulf %mul3A_239, %get3A_218 : vector<16xf32>
        %add3A_241 = arith.addf %mul3A_236, %mul3A_240 : vector<16xf32>
        %swap3A_242 = arith.index_cast %add3A_202 : i32 to index
        %swap3A_243 = arith.constant 16 : index
        %swap3A_244 = tpu.vector_load %arg13[%swap3A_242, %swap3A_243] {strides = array<i32>} : memref<128x48xf32, #tpu.memory_space<vmem>>, vector<1x16xf32>,
        %swap3A_245 = vector.shape_cast %swap3A_244 : vector<1x16xf32> to vector<16xf32>
        %swap3A_246 = vector.shape_cast %add3A_241 : vector<16xf32> to vector<1x16xf32>
        tpu.vector_store %arg13[%swap3A_242, %swap3A_243], %swap3A_246 {strides = array<i32>} : memref<128x48xf32, #tpu.memory_space<vmem>>, vector<1x16xf32>,
        %slice3A_247 = vector.extract_strided_slice %get3A_139 {offsets = [13], sizes = [1], strides = [1]} : vector<16xf32> to vector<1xf32>
        %squeeze3A_248 = vector.extract %slice3A_247[0] : f32 from vector<1xf32>
        %mul3A_249 = vector.broadcast %squeeze3A_248 : f32 to vector<16xf32>
        %mul3A_250 = arith.mulf %mul3A_249, %get3A_214 : vector<16xf32>
        %slice3A_251 = vector.extract_strided_slice %get3A_139 {offsets = [15], sizes = [1], strides = [1]} : vector<16xf32> to vector<1xf32>
        %squeeze3A_252 = vector.extract %slice3A_251[0] : f32 from vector<1xf32>
        %mul3A_253 = vector.broadcast %squeeze3A_252 : f32 to vector<16xf32>
        %mul3A_254 = arith.mulf %mul3A_253, %get3A_218 : vector<16xf32>
        %add3A_255 = arith.addf %mul3A_250, %mul3A_254 : vector<16xf32>
        %swap3A_256 = arith.index_cast %add3A_202 : i32 to index
        %swap3A_257 = arith.constant 32 : index
        %swap3A_258 = tpu.vector_load %arg13[%swap3A_256, %swap3A_257] {strides = array<i32>} : memref<128x48xf32, #tpu.memory_space<vmem>>, vector<1x16xf32>,
        %swap3A_259 = vector.shape_cast %swap3A_258 : vector<1x16xf32> to vector<16xf32>
        %swap3A_260 = vector.shape_cast %add3A_255 : vector<16xf32> to vector<1x16xf32>
        tpu.vector_store %arg13[%swap3A_256, %swap3A_257], %swap3A_260 {strides = array<i32>} : memref<128x48xf32, #tpu.memory_space<vmem>>, vector<1x16xf32>,
      }
      %scan3A_95 = arith.constant 64 : i32
      %add3A_96 = arith.constant 2 : i32
      %add3A_97 = arith.addi %add3A_79, %add3A_96 : i32
      %dma_start3A_98 = arith.constant 0 : i32
      %dma_start3A_99 = tpu.memref_slice %arg9[%add3A_97, %dma_start3A_98] : memref<50x128xi32, #tpu.memory_space<vmem>> -> memref<1x128xi32, #tpu.memory_space<vmem>>
      %dma_start3A_100 = tpu.memref_squeeze %dma_start3A_99 : memref<1x128xi32, #tpu.memory_space<vmem>> -> memref<128xi32, #tpu.memory_space<vmem>>
      %dma_start3A_101 = arith.constant 0 : i32
      %dma_start3A_102 = arith.constant 0 : i32
      %dma_start3A_103 = tpu.memref_slice %arg5[%dma_start3A_101, %dma_start3A_102] : memref<10000x64xf32, #tpu.memory_space<hbm>> -> memref<10000x64xf32, #tpu.memory_space<hbm>>
      tpu.enqueue_indirect_dma source(%dma_start3A_103 : memref<10000x64xf32, #tpu.memory_space<hbm>>) target(%arg11 : memref<128x64xf32, #tpu.memory_space<vmem>>) offsets(%dma_start3A_100 : memref<128xi32, #tpu.memory_space<vmem>>) semaphore(%arg15 : memref<!tpu.dma_semaphore, #tpu.memory_space<semaphore_mem>>)
      "tpu.region"() ({
        %run_scoped3A = tpu.sem_alloc : memref<!tpu.dma_semaphore, #tpu.memory_space<semaphore_mem>>
        %dma_start3A_133 = arith.constant 0 : i32
        %dma_start3A_134 = tpu.memref_slice %arg8[%add3A_79, %dma_start3A_133] : memref<50x128xi32, #tpu.memory_space<vmem>> -> memref<1x128xi32, #tpu.memory_space<vmem>>
        %dma_start3A_135 = tpu.memref_squeeze %dma_start3A_134 : memref<1x128xi32, #tpu.memory_space<vmem>> -> memref<128xi32, #tpu.memory_space<vmem>>
        %dma_start3A_136 = arith.constant 0 : i32
        %dma_start3A_137 = arith.constant 0 : i32
        %dma_start3A_138 = tpu.memref_slice %arg14[%dma_start3A_136, %dma_start3A_137] : memref<10112x48xf32, #tpu.memory_space<vmem_shared>> -> memref<10112x48xf32, #tpu.memory_space<vmem_shared>>
        tpu.enqueue_indirect_dma source(%arg13 : memref<128x48xf32, #tpu.memory_space<vmem>>) target(%dma_start3A_138 : memref<10112x48xf32, #tpu.memory_space<vmem_shared>>) offsets(%dma_start3A_135 : memref<128xi32, #tpu.memory_space<vmem>>) semaphore(%run_scoped3A : memref<!tpu.dma_semaphore, #tpu.memory_space<semaphore_mem>>) {add = true}
        %dma_wait3A_139 = arith.constant 0 : i32
        %dma_wait3A_140 = tpu.memref_slice %arg8[%add3A_79, %dma_wait3A_139] : memref<50x128xi32, #tpu.memory_space<vmem>> -> memref<1x128xi32, #tpu.memory_space<vmem>>
        %dma_wait3A_141 = tpu.memref_squeeze %dma_wait3A_140 : memref<1x128xi32, #tpu.memory_space<vmem>> -> memref<128xi32, #tpu.memory_space<vmem>>
        %dma_wait3A_142 = arith.constant 0 : i32
        %dma_wait3A_143 = arith.constant 0 : i32
        %dma_wait3A_144 = tpu.memref_slice %arg14[%dma_wait3A_142, %dma_wait3A_143] : memref<10112x48xf32, #tpu.memory_space<vmem_shared>> -> memref<10112x48xf32, #tpu.memory_space<vmem_shared>>
        tpu.wait_indirect_dma semaphore(%run_scoped3A : memref<!tpu.dma_semaphore, #tpu.memory_space<semaphore_mem>>) src(%arg13 : memref<128x48xf32, #tpu.memory_space<vmem>>) dst(%dma_wait3A_144 : memref<10112x48xf32, #tpu.memory_space<vmem_shared>>)
        tpu.yield
      }) : () -> ()
      %mul3A_104 = arith.constant 2 : i32
      %mul3A_105 = arith.muli %mul3A_104, %while3A_75 : i32
      %add3A_106 = arith.constant 1 : i32
      %add3A_107 = arith.addi %mul3A_105, %add3A_106 : i32
      %dma_wait3A_108 = arith.constant 0 : i32
      %dma_wait3A_109 = tpu.memref_slice %arg9[%add3A_107, %dma_wait3A_108] : memref<50x128xi32, #tpu.memory_space<vmem>> -> memref<1x128xi32, #tpu.memory_space<vmem>>
      %dma_wait3A_110 = tpu.memref_squeeze %dma_wait3A_109 : memref<1x128xi32, #tpu.memory_space<vmem>> -> memref<128xi32, #tpu.memory_space<vmem>>
      %dma_wait3A_111 = arith.constant 0 : i32
      %dma_wait3A_112 = arith.constant 0 : i32
      %dma_wait3A_113 = tpu.memref_slice %arg5[%dma_wait3A_111, %dma_wait3A_112] : memref<10000x64xf32, #tpu.memory_space<hbm>> -> memref<10000x64xf32, #tpu.memory_space<hbm>>
      tpu.wait_indirect_dma semaphore(%arg16 : memref<!tpu.dma_semaphore, #tpu.memory_space<semaphore_mem>>) src(%dma_wait3A_113 : memref<10000x64xf32, #tpu.memory_space<hbm>>) dst(%arg12 : memref<128x64xf32, #tpu.memory_space<vmem>>)
      %mul3A_114 = arith.constant 64 : i32
      %mul3A_115 = arith.muli %add3A_107, %mul3A_114 : i32
      %add3A_116 = arith.addi %sub3A, %mul3A_115 : i32
      %min3A_117 = arith.constant 3008 : i32
      %min3A_118 = arith.minsi %add3A_116, %min3A_117 : i32
      %scan3A_119 = arith.constant 0 : i32
      %scan3A_120 = arith.constant 0 : i32
      %scan3A_121 = arith.constant 64 : i32
      %scan3A_122 = arith.addi %scan3A_120, %scan3A_121 : i32
      %scan3A_123 = arith.constant 1 : i32
      scf.for %scan3A_133 = %scan3A_120 to %scan3A_122 step %scan3A_123  : i32 {
        %add3A_134 = arith.addi %min3A_118, %scan3A_133 : i32
        %mul3A_135 = arith.constant 16 : i32
        %mul3A_136 = arith.muli %add3A_134, %mul3A_135 : i32
        %multiple_of3A_137 = tpu.assume_multiple %mul3A_136, 16 : i32
        %get3A = arith.index_cast %multiple_of3A_137 : i32 to index
        %get3A_138 = tpu.vector_load %arg10[%get3A] {strides = array<i32>} : memref<49152xf32, #tpu.memory_space<vmem>>, vector<16xf32>,
        %get3A_139 = vector.shape_cast %get3A_138 : vector<16xf32> to vector<16xf32>
        %mul3A_140 = arith.constant 2 : i32
        %mul3A_141 = arith.muli %mul3A_140, %scan3A_133 : i32
        %add3A_142 = arith.constant 0 : i32
        %add3A_143 = arith.addi %mul3A_141, %add3A_142 : i32
        %get3A_144 = arith.index_cast %add3A_143 : i32 to index
        %get3A_145 = arith.constant 0 : index
        %get3A_146 = tpu.vector_load %arg12[%get3A_144, %get3A_145] {strides = array<i32>} : memref<128x64xf32, #tpu.memory_space<vmem>>, vector<1x16xf32>,
        %get3A_147 = vector.shape_cast %get3A_146 : vector<1x16xf32> to vector<16xf32>
        %get3A_148 = arith.index_cast %add3A_143 : i32 to index
        %get3A_149 = arith.constant 16 : index
        %get3A_150 = tpu.vector_load %arg12[%get3A_148, %get3A_149] {strides = array<i32>} : memref<128x64xf32, #tpu.memory_space<vmem>>, vector<1x16xf32>,
        %get3A_151 = vector.shape_cast %get3A_150 : vector<1x16xf32> to vector<16xf32>
        %get3A_152 = arith.index_cast %add3A_143 : i32 to index
        %get3A_153 = arith.constant 32 : index
        %get3A_154 = tpu.vector_load %arg12[%get3A_152, %get3A_153] {strides = array<i32>} : memref<128x64xf32, #tpu.memory_space<vmem>>, vector<1x16xf32>,
        %get3A_155 = vector.shape_cast %get3A_154 : vector<1x16xf32> to vector<16xf32>
        %get3A_156 = arith.index_cast %add3A_143 : i32 to index
        %get3A_157 = arith.constant 48 : index
        %get3A_158 = tpu.vector_load %arg12[%get3A_156, %get3A_157] {strides = array<i32>} : memref<128x64xf32, #tpu.memory_space<vmem>>, vector<1x16xf32>,
        %get3A_159 = vector.shape_cast %get3A_158 : vector<1x16xf32> to vector<16xf32>
        %slice3A = vector.extract_strided_slice %get3A_139 {offsets = [0], sizes = [1], strides = [1]} : vector<16xf32> to vector<1xf32>
        %squeeze3A = vector.extract %slice3A[0] : f32 from vector<1xf32>
        %mul3A_160 = vector.broadcast %squeeze3A : f32 to vector<16xf32>
        %mul3A_161 = arith.mulf %mul3A_160, %get3A_147 : vector<16xf32>
        %slice3A_162 = vector.extract_strided_slice %get3A_139 {offsets = [2], sizes = [1], strides = [1]} : vector<16xf32> to vector<1xf32>
        %squeeze3A_163 = vector.extract %slice3A_162[0] : f32 from vector<1xf32>
        %mul3A_164 = vector.broadcast %squeeze3A_163 : f32 to vector<16xf32>
        %mul3A_165 = arith.mulf %mul3A_164, %get3A_151 : vector<16xf32>
        %add3A_166 = arith.addf %mul3A_161, %mul3A_165 : vector<16xf32>
        %swap3A = arith.index_cast %add3A_143 : i32 to index
        %swap3A_167 = arith.constant 0 : index
        %swap3A_168 = tpu.vector_load %arg13[%swap3A, %swap3A_167] {strides = array<i32>} : memref<128x48xf32, #tpu.memory_space<vmem>>, vector<1x16xf32>,
        %swap3A_169 = vector.shape_cast %swap3A_168 : vector<1x16xf32> to vector<16xf32>
        %swap3A_170 = vector.shape_cast %add3A_166 : vector<16xf32> to vector<1x16xf32>
        tpu.vector_store %arg13[%swap3A, %swap3A_167], %swap3A_170 {strides = array<i32>} : memref<128x48xf32, #tpu.memory_space<vmem>>, vector<1x16xf32>,
        %slice3A_171 = vector.extract_strided_slice %get3A_139 {offsets = [4], sizes = [1], strides = [1]} : vector<16xf32> to vector<1xf32>
        %squeeze3A_172 = vector.extract %slice3A_171[0] : f32 from vector<1xf32>
        %mul3A_173 = vector.broadcast %squeeze3A_172 : f32 to vector<16xf32>
        %mul3A_174 = arith.mulf %mul3A_173, %get3A_155 : vector<16xf32>
        %slice3A_175 = vector.extract_strided_slice %get3A_139 {offsets = [6], sizes = [1], strides = [1]} : vector<16xf32> to vector<1xf32>
        %squeeze3A_176 = vector.extract %slice3A_175[0] : f32 from vector<1xf32>
        %mul3A_177 = vector.broadcast %squeeze3A_176 : f32 to vector<16xf32>
        %mul3A_178 = arith.mulf %mul3A_177, %get3A_159 : vector<16xf32>
        %add3A_179 = arith.addf %mul3A_174, %mul3A_178 : vector<16xf32>
        %swap3A_180 = arith.index_cast %add3A_143 : i32 to index
        %swap3A_181 = arith.constant 16 : index
        %swap3A_182 = tpu.vector_load %arg13[%swap3A_180, %swap3A_181] {strides = array<i32>} : memref<128x48xf32, #tpu.memory_space<vmem>>, vector<1x16xf32>,
        %swap3A_183 = vector.shape_cast %swap3A_182 : vector<1x16xf32> to vector<16xf32>
        %swap3A_184 = vector.shape_cast %add3A_179 : vector<16xf32> to vector<1x16xf32>
        tpu.vector_store %arg13[%swap3A_180, %swap3A_181], %swap3A_184 {strides = array<i32>} : memref<128x48xf32, #tpu.memory_space<vmem>>, vector<1x16xf32>,
        %slice3A_185 = vector.extract_strided_slice %get3A_139 {offsets = [5], sizes = [1], strides = [1]} : vector<16xf32> to vector<1xf32>
        %squeeze3A_186 = vector.extract %slice3A_185[0] : f32 from vector<1xf32>
        %mul3A_187 = vector.broadcast %squeeze3A_186 : f32 to vector<16xf32>
        %mul3A_188 = arith.mulf %mul3A_187, %get3A_155 : vector<16xf32>
        %slice3A_189 = vector.extract_strided_slice %get3A_139 {offsets = [7], sizes = [1], strides = [1]} : vector<16xf32> to vector<1xf32>
        %squeeze3A_190 = vector.extract %slice3A_189[0] : f32 from vector<1xf32>
        %mul3A_191 = vector.broadcast %squeeze3A_190 : f32 to vector<16xf32>
        %mul3A_192 = arith.mulf %mul3A_191, %get3A_159 : vector<16xf32>
        %add3A_193 = arith.addf %mul3A_188, %mul3A_192 : vector<16xf32>
        %swap3A_194 = arith.index_cast %add3A_143 : i32 to index
        %swap3A_195 = arith.constant 32 : index
        %swap3A_196 = tpu.vector_load %arg13[%swap3A_194, %swap3A_195] {strides = array<i32>} : memref<128x48xf32, #tpu.memory_space<vmem>>, vector<1x16xf32>,
        %swap3A_197 = vector.shape_cast %swap3A_196 : vector<1x16xf32> to vector<16xf32>
        %swap3A_198 = vector.shape_cast %add3A_193 : vector<16xf32> to vector<1x16xf32>
        tpu.vector_store %arg13[%swap3A_194, %swap3A_195], %swap3A_198 {strides = array<i32>} : memref<128x48xf32, #tpu.memory_space<vmem>>, vector<1x16xf32>,
        %mul3A_199 = arith.constant 2 : i32
        %mul3A_200 = arith.muli %mul3A_199, %scan3A_133 : i32
        %add3A_201 = arith.constant 1 : i32
        %add3A_202 = arith.addi %mul3A_200, %add3A_201 : i32
        %get3A_203 = arith.index_cast %add3A_202 : i32 to index
        %get3A_204 = arith.constant 0 : index
        %get3A_205 = tpu.vector_load %arg12[%get3A_203, %get3A_204] {strides = array<i32>} : memref<128x64xf32, #tpu.memory_space<vmem>>, vector<1x16xf32>,
        %get3A_206 = vector.shape_cast %get3A_205 : vector<1x16xf32> to vector<16xf32>
        %get3A_207 = arith.index_cast %add3A_202 : i32 to index
        %get3A_208 = arith.constant 16 : index
        %get3A_209 = tpu.vector_load %arg12[%get3A_207, %get3A_208] {strides = array<i32>} : memref<128x64xf32, #tpu.memory_space<vmem>>, vector<1x16xf32>,
        %get3A_210 = vector.shape_cast %get3A_209 : vector<1x16xf32> to vector<16xf32>
        %get3A_211 = arith.index_cast %add3A_202 : i32 to index
        %get3A_212 = arith.constant 32 : index
        %get3A_213 = tpu.vector_load %arg12[%get3A_211, %get3A_212] {strides = array<i32>} : memref<128x64xf32, #tpu.memory_space<vmem>>, vector<1x16xf32>,
        %get3A_214 = vector.shape_cast %get3A_213 : vector<1x16xf32> to vector<16xf32>
        %get3A_215 = arith.index_cast %add3A_202 : i32 to index
        %get3A_216 = arith.constant 48 : index
        %get3A_217 = tpu.vector_load %arg12[%get3A_215, %get3A_216] {strides = array<i32>} : memref<128x64xf32, #tpu.memory_space<vmem>>, vector<1x16xf32>,
        %get3A_218 = vector.shape_cast %get3A_217 : vector<1x16xf32> to vector<16xf32>
        %slice3A_219 = vector.extract_strided_slice %get3A_139 {offsets = [8], sizes = [1], strides = [1]} : vector<16xf32> to vector<1xf32>
        %squeeze3A_220 = vector.extract %slice3A_219[0] : f32 from vector<1xf32>
        %mul3A_221 = vector.broadcast %squeeze3A_220 : f32 to vector<16xf32>
        %mul3A_222 = arith.mulf %mul3A_221, %get3A_206 : vector<16xf32>
        %slice3A_223 = vector.extract_strided_slice %get3A_139 {offsets = [10], sizes = [1], strides = [1]} : vector<16xf32> to vector<1xf32>
        %squeeze3A_224 = vector.extract %slice3A_223[0] : f32 from vector<1xf32>
        %mul3A_225 = vector.broadcast %squeeze3A_224 : f32 to vector<16xf32>
        %mul3A_226 = arith.mulf %mul3A_225, %get3A_210 : vector<16xf32>
        %add3A_227 = arith.addf %mul3A_222, %mul3A_226 : vector<16xf32>
        %swap3A_228 = arith.index_cast %add3A_202 : i32 to index
        %swap3A_229 = arith.constant 0 : index
        %swap3A_230 = tpu.vector_load %arg13[%swap3A_228, %swap3A_229] {strides = array<i32>} : memref<128x48xf32, #tpu.memory_space<vmem>>, vector<1x16xf32>,
        %swap3A_231 = vector.shape_cast %swap3A_230 : vector<1x16xf32> to vector<16xf32>
        %swap3A_232 = vector.shape_cast %add3A_227 : vector<16xf32> to vector<1x16xf32>
        tpu.vector_store %arg13[%swap3A_228, %swap3A_229], %swap3A_232 {strides = array<i32>} : memref<128x48xf32, #tpu.memory_space<vmem>>, vector<1x16xf32>,
        %slice3A_233 = vector.extract_strided_slice %get3A_139 {offsets = [12], sizes = [1], strides = [1]} : vector<16xf32> to vector<1xf32>
        %squeeze3A_234 = vector.extract %slice3A_233[0] : f32 from vector<1xf32>
        %mul3A_235 = vector.broadcast %squeeze3A_234 : f32 to vector<16xf32>
        %mul3A_236 = arith.mulf %mul3A_235, %get3A_214 : vector<16xf32>
        %slice3A_237 = vector.extract_strided_slice %get3A_139 {offsets = [14], sizes = [1], strides = [1]} : vector<16xf32> to vector<1xf32>
        %squeeze3A_238 = vector.extract %slice3A_237[0] : f32 from vector<1xf32>
        %mul3A_239 = vector.broadcast %squeeze3A_238 : f32 to vector<16xf32>
        %mul3A_240 = arith.mulf %mul3A_239, %get3A_218 : vector<16xf32>
        %add3A_241 = arith.addf %mul3A_236, %mul3A_240 : vector<16xf32>
        %swap3A_242 = arith.index_cast %add3A_202 : i32 to index
        %swap3A_243 = arith.constant 16 : index
        %swap3A_244 = tpu.vector_load %arg13[%swap3A_242, %swap3A_243] {strides = array<i32>} : memref<128x48xf32, #tpu.memory_space<vmem>>, vector<1x16xf32>,
        %swap3A_245 = vector.shape_cast %swap3A_244 : vector<1x16xf32> to vector<16xf32>
        %swap3A_246 = vector.shape_cast %add3A_241 : vector<16xf32> to vector<1x16xf32>
        tpu.vector_store %arg13[%swap3A_242, %swap3A_243], %swap3A_246 {strides = array<i32>} : memref<128x48xf32, #tpu.memory_space<vmem>>, vector<1x16xf32>,
        %slice3A_247 = vector.extract_strided_slice %get3A_139 {offsets = [13], sizes = [1], strides = [1]} : vector<16xf32> to vector<1xf32>
        %squeeze3A_248 = vector.extract %slice3A_247[0] : f32 from vector<1xf32>
        %mul3A_249 = vector.broadcast %squeeze3A_248 : f32 to vector<16xf32>
        %mul3A_250 = arith.mulf %mul3A_249, %get3A_214 : vector<16xf32>
        %slice3A_251 = vector.extract_strided_slice %get3A_139 {offsets = [15], sizes = [1], strides = [1]} : vector<16xf32> to vector<1xf32>
        %squeeze3A_252 = vector.extract %slice3A_251[0] : f32 from vector<1xf32>
        %mul3A_253 = vector.broadcast %squeeze3A_252 : f32 to vector<16xf32>
        %mul3A_254 = arith.mulf %mul3A_253, %get3A_218 : vector<16xf32>
        %add3A_255 = arith.addf %mul3A_250, %mul3A_254 : vector<16xf32>
        %swap3A_256 = arith.index_cast %add3A_202 : i32 to index
        %swap3A_257 = arith.constant 32 : index
        %swap3A_258 = tpu.vector_load %arg13[%swap3A_256, %swap3A_257] {strides = array<i32>} : memref<128x48xf32, #tpu.memory_space<vmem>>, vector<1x16xf32>,
        %swap3A_259 = vector.shape_cast %swap3A_258 : vector<1x16xf32> to vector<16xf32>
        %swap3A_260 = vector.shape_cast %add3A_255 : vector<16xf32> to vector<1x16xf32>
        tpu.vector_store %arg13[%swap3A_256, %swap3A_257], %swap3A_260 {strides = array<i32>} : memref<128x48xf32, #tpu.memory_space<vmem>>, vector<1x16xf32>,
      }
      %scan3A_124 = arith.constant 64 : i32
      %add3A_125 = arith.constant 2 : i32
      %add3A_126 = arith.addi %add3A_107, %add3A_125 : i32
      %dma_start3A_127 = arith.constant 0 : i32
      %dma_start3A_128 = tpu.memref_slice %arg9[%add3A_126, %dma_start3A_127] : memref<50x128xi32, #tpu.memory_space<vmem>> -> memref<1x128xi32, #tpu.memory_space<vmem>>
      %dma_start3A_129 = tpu.memref_squeeze %dma_start3A_128 : memref<1x128xi32, #tpu.memory_space<vmem>> -> memref<128xi32, #tpu.memory_space<vmem>>
      %dma_start3A_130 = arith.constant 0 : i32
      %dma_start3A_131 = arith.constant 0 : i32
      %dma_start3A_132 = tpu.memref_slice %arg5[%dma_start3A_130, %dma_start3A_131] : memref<10000x64xf32, #tpu.memory_space<hbm>> -> memref<10000x64xf32, #tpu.memory_space<hbm>>
      tpu.enqueue_indirect_dma source(%dma_start3A_132 : memref<10000x64xf32, #tpu.memory_space<hbm>>) target(%arg12 : memref<128x64xf32, #tpu.memory_space<vmem>>) offsets(%dma_start3A_129 : memref<128xi32, #tpu.memory_space<vmem>>) semaphore(%arg16 : memref<!tpu.dma_semaphore, #tpu.memory_space<semaphore_mem>>)
      "tpu.region"() ({
        %run_scoped3A = tpu.sem_alloc : memref<!tpu.dma_semaphore, #tpu.memory_space<semaphore_mem>>
        %dma_start3A_133 = arith.constant 0 : i32
        %dma_start3A_134 = tpu.memref_slice %arg8[%add3A_107, %dma_start3A_133] : memref<50x128xi32, #tpu.memory_space<vmem>> -> memref<1x128xi32, #tpu.memory_space<vmem>>
        %dma_start3A_135 = tpu.memref_squeeze %dma_start3A_134 : memref<1x128xi32, #tpu.memory_space<vmem>> -> memref<128xi32, #tpu.memory_space<vmem>>
        %dma_start3A_136 = arith.constant 0 : i32
        %dma_start3A_137 = arith.constant 0 : i32
        %dma_start3A_138 = tpu.memref_slice %arg14[%dma_start3A_136, %dma_start3A_137] : memref<10112x48xf32, #tpu.memory_space<vmem_shared>> -> memref<10112x48xf32, #tpu.memory_space<vmem_shared>>
        tpu.enqueue_indirect_dma source(%arg13 : memref<128x48xf32, #tpu.memory_space<vmem>>) target(%dma_start3A_138 : memref<10112x48xf32, #tpu.memory_space<vmem_shared>>) offsets(%dma_start3A_135 : memref<128xi32, #tpu.memory_space<vmem>>) semaphore(%run_scoped3A : memref<!tpu.dma_semaphore, #tpu.memory_space<semaphore_mem>>) {add = true}
        %dma_wait3A_139 = arith.constant 0 : i32
        %dma_wait3A_140 = tpu.memref_slice %arg8[%add3A_107, %dma_wait3A_139] : memref<50x128xi32, #tpu.memory_space<vmem>> -> memref<1x128xi32, #tpu.memory_space<vmem>>
        %dma_wait3A_141 = tpu.memref_squeeze %dma_wait3A_140 : memref<1x128xi32, #tpu.memory_space<vmem>> -> memref<128xi32, #tpu.memory_space<vmem>>
        %dma_wait3A_142 = arith.constant 0 : i32
        %dma_wait3A_143 = arith.constant 0 : i32
        %dma_wait3A_144 = tpu.memref_slice %arg14[%dma_wait3A_142, %dma_wait3A_143] : memref<10112x48xf32, #tpu.memory_space<vmem_shared>> -> memref<10112x48xf32, #tpu.memory_space<vmem_shared>>
        tpu.wait_indirect_dma semaphore(%run_scoped3A : memref<!tpu.dma_semaphore, #tpu.memory_space<semaphore_mem>>) src(%arg13 : memref<128x48xf32, #tpu.memory_space<vmem>>) dst(%dma_wait3A_144 : memref<10112x48xf32, #tpu.memory_space<vmem_shared>>)
        tpu.yield
      }) : () -> ()
    }
    %while3A_60 = arith.constant 1 : i32
    scf.for %while3A_75 = %while3A_58 to %while3A_54 step %while3A_60  : i32 {
      %mul3A_76 = arith.constant 2 : i32
      %mul3A_77 = arith.muli %mul3A_76, %while3A_75 : i32
      %add3A_78 = arith.constant 0 : i32
      %add3A_79 = arith.addi %mul3A_77, %add3A_78 : i32
      %dma_wait3A_80 = arith.constant 0 : i32
      %dma_wait3A_81 = tpu.memref_slice %arg9[%add3A_79, %dma_wait3A_80] : memref<50x128xi32, #tpu.memory_space<vmem>> -> memref<1x128xi32, #tpu.memory_space<vmem>>
      %dma_wait3A_82 = tpu.memref_squeeze %dma_wait3A_81 : memref<1x128xi32, #tpu.memory_space<vmem>> -> memref<128xi32, #tpu.memory_space<vmem>>
      %dma_wait3A_83 = arith.constant 0 : i32
      %dma_wait3A_84 = arith.constant 0 : i32
      %dma_wait3A_85 = tpu.memref_slice %arg5[%dma_wait3A_83, %dma_wait3A_84] : memref<10000x64xf32, #tpu.memory_space<hbm>> -> memref<10000x64xf32, #tpu.memory_space<hbm>>
      tpu.wait_indirect_dma semaphore(%arg15 : memref<!tpu.dma_semaphore, #tpu.memory_space<semaphore_mem>>) src(%dma_wait3A_85 : memref<10000x64xf32, #tpu.memory_space<hbm>>) dst(%arg11 : memref<128x64xf32, #tpu.memory_space<vmem>>)
      %mul3A_86 = arith.constant 64 : i32
      %mul3A_87 = arith.muli %add3A_79, %mul3A_86 : i32
      %add3A_88 = arith.addi %sub3A, %mul3A_87 : i32
      %min3A_89 = arith.constant 3008 : i32
      %min3A_90 = arith.minsi %add3A_88, %min3A_89 : i32
      %scan3A = arith.constant 0 : i32
      %scan3A_91 = arith.constant 0 : i32
      %scan3A_92 = arith.constant 64 : i32
      %scan3A_93 = arith.addi %scan3A_91, %scan3A_92 : i32
      %scan3A_94 = arith.constant 1 : i32
      scf.for %scan3A_133 = %scan3A_91 to %scan3A_93 step %scan3A_94  : i32 {
        %add3A_134 = arith.addi %min3A_90, %scan3A_133 : i32
        %mul3A_135 = arith.constant 16 : i32
        %mul3A_136 = arith.muli %add3A_134, %mul3A_135 : i32
        %multiple_of3A_137 = tpu.assume_multiple %mul3A_136, 16 : i32
        %get3A = arith.index_cast %multiple_of3A_137 : i32 to index
        %get3A_138 = tpu.vector_load %arg10[%get3A] {strides = array<i32>} : memref<49152xf32, #tpu.memory_space<vmem>>, vector<16xf32>,
        %get3A_139 = vector.shape_cast %get3A_138 : vector<16xf32> to vector<16xf32>
        %mul3A_140 = arith.constant 2 : i32
        %mul3A_141 = arith.muli %mul3A_140, %scan3A_133 : i32
        %add3A_142 = arith.constant 0 : i32
        %add3A_143 = arith.addi %mul3A_141, %add3A_142 : i32
        %get3A_144 = arith.index_cast %add3A_143 : i32 to index
        %get3A_145 = arith.constant 0 : index
        %get3A_146 = tpu.vector_load %arg11[%get3A_144, %get3A_145] {strides = array<i32>} : memref<128x64xf32, #tpu.memory_space<vmem>>, vector<1x16xf32>,
        %get3A_147 = vector.shape_cast %get3A_146 : vector<1x16xf32> to vector<16xf32>
        %get3A_148 = arith.index_cast %add3A_143 : i32 to index
        %get3A_149 = arith.constant 16 : index
        %get3A_150 = tpu.vector_load %arg11[%get3A_148, %get3A_149] {strides = array<i32>} : memref<128x64xf32, #tpu.memory_space<vmem>>, vector<1x16xf32>,
        %get3A_151 = vector.shape_cast %get3A_150 : vector<1x16xf32> to vector<16xf32>
        %get3A_152 = arith.index_cast %add3A_143 : i32 to index
        %get3A_153 = arith.constant 32 : index
        %get3A_154 = tpu.vector_load %arg11[%get3A_152, %get3A_153] {strides = array<i32>} : memref<128x64xf32, #tpu.memory_space<vmem>>, vector<1x16xf32>,
        %get3A_155 = vector.shape_cast %get3A_154 : vector<1x16xf32> to vector<16xf32>
        %get3A_156 = arith.index_cast %add3A_143 : i32 to index
        %get3A_157 = arith.constant 48 : index
        %get3A_158 = tpu.vector_load %arg11[%get3A_156, %get3A_157] {strides = array<i32>} : memref<128x64xf32, #tpu.memory_space<vmem>>, vector<1x16xf32>,
        %get3A_159 = vector.shape_cast %get3A_158 : vector<1x16xf32> to vector<16xf32>
        %slice3A = vector.extract_strided_slice %get3A_139 {offsets = [0], sizes = [1], strides = [1]} : vector<16xf32> to vector<1xf32>
        %squeeze3A = vector.extract %slice3A[0] : f32 from vector<1xf32>
        %mul3A_160 = vector.broadcast %squeeze3A : f32 to vector<16xf32>
        %mul3A_161 = arith.mulf %mul3A_160, %get3A_147 : vector<16xf32>
        %slice3A_162 = vector.extract_strided_slice %get3A_139 {offsets = [2], sizes = [1], strides = [1]} : vector<16xf32> to vector<1xf32>
        %squeeze3A_163 = vector.extract %slice3A_162[0] : f32 from vector<1xf32>
        %mul3A_164 = vector.broadcast %squeeze3A_163 : f32 to vector<16xf32>
        %mul3A_165 = arith.mulf %mul3A_164, %get3A_151 : vector<16xf32>
        %add3A_166 = arith.addf %mul3A_161, %mul3A_165 : vector<16xf32>
        %swap3A = arith.index_cast %add3A_143 : i32 to index
        %swap3A_167 = arith.constant 0 : index
        %swap3A_168 = tpu.vector_load %arg13[%swap3A, %swap3A_167] {strides = array<i32>} : memref<128x48xf32, #tpu.memory_space<vmem>>, vector<1x16xf32>,
        %swap3A_169 = vector.shape_cast %swap3A_168 : vector<1x16xf32> to vector<16xf32>
        %swap3A_170 = vector.shape_cast %add3A_166 : vector<16xf32> to vector<1x16xf32>
        tpu.vector_store %arg13[%swap3A, %swap3A_167], %swap3A_170 {strides = array<i32>} : memref<128x48xf32, #tpu.memory_space<vmem>>, vector<1x16xf32>,
        %slice3A_171 = vector.extract_strided_slice %get3A_139 {offsets = [4], sizes = [1], strides = [1]} : vector<16xf32> to vector<1xf32>
        %squeeze3A_172 = vector.extract %slice3A_171[0] : f32 from vector<1xf32>
        %mul3A_173 = vector.broadcast %squeeze3A_172 : f32 to vector<16xf32>
        %mul3A_174 = arith.mulf %mul3A_173, %get3A_155 : vector<16xf32>
        %slice3A_175 = vector.extract_strided_slice %get3A_139 {offsets = [6], sizes = [1], strides = [1]} : vector<16xf32> to vector<1xf32>
        %squeeze3A_176 = vector.extract %slice3A_175[0] : f32 from vector<1xf32>
        %mul3A_177 = vector.broadcast %squeeze3A_176 : f32 to vector<16xf32>
        %mul3A_178 = arith.mulf %mul3A_177, %get3A_159 : vector<16xf32>
        %add3A_179 = arith.addf %mul3A_174, %mul3A_178 : vector<16xf32>
        %swap3A_180 = arith.index_cast %add3A_143 : i32 to index
        %swap3A_181 = arith.constant 16 : index
        %swap3A_182 = tpu.vector_load %arg13[%swap3A_180, %swap3A_181] {strides = array<i32>} : memref<128x48xf32, #tpu.memory_space<vmem>>, vector<1x16xf32>,
        %swap3A_183 = vector.shape_cast %swap3A_182 : vector<1x16xf32> to vector<16xf32>
        %swap3A_184 = vector.shape_cast %add3A_179 : vector<16xf32> to vector<1x16xf32>
        tpu.vector_store %arg13[%swap3A_180, %swap3A_181], %swap3A_184 {strides = array<i32>} : memref<128x48xf32, #tpu.memory_space<vmem>>, vector<1x16xf32>,
        %slice3A_185 = vector.extract_strided_slice %get3A_139 {offsets = [5], sizes = [1], strides = [1]} : vector<16xf32> to vector<1xf32>
        %squeeze3A_186 = vector.extract %slice3A_185[0] : f32 from vector<1xf32>
        %mul3A_187 = vector.broadcast %squeeze3A_186 : f32 to vector<16xf32>
        %mul3A_188 = arith.mulf %mul3A_187, %get3A_155 : vector<16xf32>
        %slice3A_189 = vector.extract_strided_slice %get3A_139 {offsets = [7], sizes = [1], strides = [1]} : vector<16xf32> to vector<1xf32>
        %squeeze3A_190 = vector.extract %slice3A_189[0] : f32 from vector<1xf32>
        %mul3A_191 = vector.broadcast %squeeze3A_190 : f32 to vector<16xf32>
        %mul3A_192 = arith.mulf %mul3A_191, %get3A_159 : vector<16xf32>
        %add3A_193 = arith.addf %mul3A_188, %mul3A_192 : vector<16xf32>
        %swap3A_194 = arith.index_cast %add3A_143 : i32 to index
        %swap3A_195 = arith.constant 32 : index
        %swap3A_196 = tpu.vector_load %arg13[%swap3A_194, %swap3A_195] {strides = array<i32>} : memref<128x48xf32, #tpu.memory_space<vmem>>, vector<1x16xf32>,
        %swap3A_197 = vector.shape_cast %swap3A_196 : vector<1x16xf32> to vector<16xf32>
        %swap3A_198 = vector.shape_cast %add3A_193 : vector<16xf32> to vector<1x16xf32>
        tpu.vector_store %arg13[%swap3A_194, %swap3A_195], %swap3A_198 {strides = array<i32>} : memref<128x48xf32, #tpu.memory_space<vmem>>, vector<1x16xf32>,
        %mul3A_199 = arith.constant 2 : i32
        %mul3A_200 = arith.muli %mul3A_199, %scan3A_133 : i32
        %add3A_201 = arith.constant 1 : i32
        %add3A_202 = arith.addi %mul3A_200, %add3A_201 : i32
        %get3A_203 = arith.index_cast %add3A_202 : i32 to index
        %get3A_204 = arith.constant 0 : index
        %get3A_205 = tpu.vector_load %arg11[%get3A_203, %get3A_204] {strides = array<i32>} : memref<128x64xf32, #tpu.memory_space<vmem>>, vector<1x16xf32>,
        %get3A_206 = vector.shape_cast %get3A_205 : vector<1x16xf32> to vector<16xf32>
        %get3A_207 = arith.index_cast %add3A_202 : i32 to index
        %get3A_208 = arith.constant 16 : index
        %get3A_209 = tpu.vector_load %arg11[%get3A_207, %get3A_208] {strides = array<i32>} : memref<128x64xf32, #tpu.memory_space<vmem>>, vector<1x16xf32>,
        %get3A_210 = vector.shape_cast %get3A_209 : vector<1x16xf32> to vector<16xf32>
        %get3A_211 = arith.index_cast %add3A_202 : i32 to index
        %get3A_212 = arith.constant 32 : index
        %get3A_213 = tpu.vector_load %arg11[%get3A_211, %get3A_212] {strides = array<i32>} : memref<128x64xf32, #tpu.memory_space<vmem>>, vector<1x16xf32>,
        %get3A_214 = vector.shape_cast %get3A_213 : vector<1x16xf32> to vector<16xf32>
        %get3A_215 = arith.index_cast %add3A_202 : i32 to index
        %get3A_216 = arith.constant 48 : index
        %get3A_217 = tpu.vector_load %arg11[%get3A_215, %get3A_216] {strides = array<i32>} : memref<128x64xf32, #tpu.memory_space<vmem>>, vector<1x16xf32>,
        %get3A_218 = vector.shape_cast %get3A_217 : vector<1x16xf32> to vector<16xf32>
        %slice3A_219 = vector.extract_strided_slice %get3A_139 {offsets = [8], sizes = [1], strides = [1]} : vector<16xf32> to vector<1xf32>
        %squeeze3A_220 = vector.extract %slice3A_219[0] : f32 from vector<1xf32>
        %mul3A_221 = vector.broadcast %squeeze3A_220 : f32 to vector<16xf32>
        %mul3A_222 = arith.mulf %mul3A_221, %get3A_206 : vector<16xf32>
        %slice3A_223 = vector.extract_strided_slice %get3A_139 {offsets = [10], sizes = [1], strides = [1]} : vector<16xf32> to vector<1xf32>
        %squeeze3A_224 = vector.extract %slice3A_223[0] : f32 from vector<1xf32>
        %mul3A_225 = vector.broadcast %squeeze3A_224 : f32 to vector<16xf32>
        %mul3A_226 = arith.mulf %mul3A_225, %get3A_210 : vector<16xf32>
        %add3A_227 = arith.addf %mul3A_222, %mul3A_226 : vector<16xf32>
        %swap3A_228 = arith.index_cast %add3A_202 : i32 to index
        %swap3A_229 = arith.constant 0 : index
        %swap3A_230 = tpu.vector_load %arg13[%swap3A_228, %swap3A_229] {strides = array<i32>} : memref<128x48xf32, #tpu.memory_space<vmem>>, vector<1x16xf32>,
        %swap3A_231 = vector.shape_cast %swap3A_230 : vector<1x16xf32> to vector<16xf32>
        %swap3A_232 = vector.shape_cast %add3A_227 : vector<16xf32> to vector<1x16xf32>
        tpu.vector_store %arg13[%swap3A_228, %swap3A_229], %swap3A_232 {strides = array<i32>} : memref<128x48xf32, #tpu.memory_space<vmem>>, vector<1x16xf32>,
        %slice3A_233 = vector.extract_strided_slice %get3A_139 {offsets = [12], sizes = [1], strides = [1]} : vector<16xf32> to vector<1xf32>
        %squeeze3A_234 = vector.extract %slice3A_233[0] : f32 from vector<1xf32>
        %mul3A_235 = vector.broadcast %squeeze3A_234 : f32 to vector<16xf32>
        %mul3A_236 = arith.mulf %mul3A_235, %get3A_214 : vector<16xf32>
        %slice3A_237 = vector.extract_strided_slice %get3A_139 {offsets = [14], sizes = [1], strides = [1]} : vector<16xf32> to vector<1xf32>
        %squeeze3A_238 = vector.extract %slice3A_237[0] : f32 from vector<1xf32>
        %mul3A_239 = vector.broadcast %squeeze3A_238 : f32 to vector<16xf32>
        %mul3A_240 = arith.mulf %mul3A_239, %get3A_218 : vector<16xf32>
        %add3A_241 = arith.addf %mul3A_236, %mul3A_240 : vector<16xf32>
        %swap3A_242 = arith.index_cast %add3A_202 : i32 to index
        %swap3A_243 = arith.constant 16 : index
        %swap3A_244 = tpu.vector_load %arg13[%swap3A_242, %swap3A_243] {strides = array<i32>} : memref<128x48xf32, #tpu.memory_space<vmem>>, vector<1x16xf32>,
        %swap3A_245 = vector.shape_cast %swap3A_244 : vector<1x16xf32> to vector<16xf32>
        %swap3A_246 = vector.shape_cast %add3A_241 : vector<16xf32> to vector<1x16xf32>
        tpu.vector_store %arg13[%swap3A_242, %swap3A_243], %swap3A_246 {strides = array<i32>} : memref<128x48xf32, #tpu.memory_space<vmem>>, vector<1x16xf32>,
        %slice3A_247 = vector.extract_strided_slice %get3A_139 {offsets = [13], sizes = [1], strides = [1]} : vector<16xf32> to vector<1xf32>
        %squeeze3A_248 = vector.extract %slice3A_247[0] : f32 from vector<1xf32>
        %mul3A_249 = vector.broadcast %squeeze3A_248 : f32 to vector<16xf32>
        %mul3A_250 = arith.mulf %mul3A_249, %get3A_214 : vector<16xf32>
        %slice3A_251 = vector.extract_strided_slice %get3A_139 {offsets = [15], sizes = [1], strides = [1]} : vector<16xf32> to vector<1xf32>
        %squeeze3A_252 = vector.extract %slice3A_251[0] : f32 from vector<1xf32>
        %mul3A_253 = vector.broadcast %squeeze3A_252 : f32 to vector<16xf32>
        %mul3A_254 = arith.mulf %mul3A_253, %get3A_218 : vector<16xf32>
        %add3A_255 = arith.addf %mul3A_250, %mul3A_254 : vector<16xf32>
        %swap3A_256 = arith.index_cast %add3A_202 : i32 to index
        %swap3A_257 = arith.constant 32 : index
        %swap3A_258 = tpu.vector_load %arg13[%swap3A_256, %swap3A_257] {strides = array<i32>} : memref<128x48xf32, #tpu.memory_space<vmem>>, vector<1x16xf32>,
        %swap3A_259 = vector.shape_cast %swap3A_258 : vector<1x16xf32> to vector<16xf32>
        %swap3A_260 = vector.shape_cast %add3A_255 : vector<16xf32> to vector<1x16xf32>
        tpu.vector_store %arg13[%swap3A_256, %swap3A_257], %swap3A_260 {strides = array<i32>} : memref<128x48xf32, #tpu.memory_space<vmem>>, vector<1x16xf32>,
      }
      %scan3A_95 = arith.constant 64 : i32
      %add3A_96 = arith.constant 2 : i32
      %add3A_97 = arith.addi %add3A_79, %add3A_96 : i32
      %dma_start3A_98 = arith.constant 0 : i32
      %dma_start3A_99 = tpu.memref_slice %arg9[%add3A_97, %dma_start3A_98] : memref<50x128xi32, #tpu.memory_space<vmem>> -> memref<1x128xi32, #tpu.memory_space<vmem>>
      %dma_start3A_100 = tpu.memref_squeeze %dma_start3A_99 : memref<1x128xi32, #tpu.memory_space<vmem>> -> memref<128xi32, #tpu.memory_space<vmem>>
      %dma_start3A_101 = arith.constant 0 : i32
      %dma_start3A_102 = arith.constant 0 : i32
      %dma_start3A_103 = tpu.memref_slice %arg5[%dma_start3A_101, %dma_start3A_102] : memref<10000x64xf32, #tpu.memory_space<hbm>> -> memref<10000x64xf32, #tpu.memory_space<hbm>>
      tpu.enqueue_indirect_dma source(%dma_start3A_103 : memref<10000x64xf32, #tpu.memory_space<hbm>>) target(%arg11 : memref<128x64xf32, #tpu.memory_space<vmem>>) offsets(%dma_start3A_100 : memref<128xi32, #tpu.memory_space<vmem>>) semaphore(%arg15 : memref<!tpu.dma_semaphore, #tpu.memory_space<semaphore_mem>>)
      "tpu.region"() ({
        %run_scoped3A = tpu.sem_alloc : memref<!tpu.dma_semaphore, #tpu.memory_space<semaphore_mem>>
        %dma_start3A_133 = arith.constant 0 : i32
        %dma_start3A_134 = tpu.memref_slice %arg8[%add3A_79, %dma_start3A_133] : memref<50x128xi32, #tpu.memory_space<vmem>> -> memref<1x128xi32, #tpu.memory_space<vmem>>
        %dma_start3A_135 = tpu.memref_squeeze %dma_start3A_134 : memref<1x128xi32, #tpu.memory_space<vmem>> -> memref<128xi32, #tpu.memory_space<vmem>>
        %dma_start3A_136 = arith.constant 0 : i32
        %dma_start3A_137 = arith.constant 0 : i32
        %dma_start3A_138 = tpu.memref_slice %arg14[%dma_start3A_136, %dma_start3A_137] : memref<10112x48xf32, #tpu.memory_space<vmem_shared>> -> memref<10112x48xf32, #tpu.memory_space<vmem_shared>>
        tpu.enqueue_indirect_dma source(%arg13 : memref<128x48xf32, #tpu.memory_space<vmem>>) target(%dma_start3A_138 : memref<10112x48xf32, #tpu.memory_space<vmem_shared>>) offsets(%dma_start3A_135 : memref<128xi32, #tpu.memory_space<vmem>>) semaphore(%run_scoped3A : memref<!tpu.dma_semaphore, #tpu.memory_space<semaphore_mem>>) {add = true}
        %dma_wait3A_139 = arith.constant 0 : i32
        %dma_wait3A_140 = tpu.memref_slice %arg8[%add3A_79, %dma_wait3A_139] : memref<50x128xi32, #tpu.memory_space<vmem>> -> memref<1x128xi32, #tpu.memory_space<vmem>>
        %dma_wait3A_141 = tpu.memref_squeeze %dma_wait3A_140 : memref<1x128xi32, #tpu.memory_space<vmem>> -> memref<128xi32, #tpu.memory_space<vmem>>
        %dma_wait3A_142 = arith.constant 0 : i32
        %dma_wait3A_143 = arith.constant 0 : i32
        %dma_wait3A_144 = tpu.memref_slice %arg14[%dma_wait3A_142, %dma_wait3A_143] : memref<10112x48xf32, #tpu.memory_space<vmem_shared>> -> memref<10112x48xf32, #tpu.memory_space<vmem_shared>>
        tpu.wait_indirect_dma semaphore(%run_scoped3A : memref<!tpu.dma_semaphore, #tpu.memory_space<semaphore_mem>>) src(%arg13 : memref<128x48xf32, #tpu.memory_space<vmem>>) dst(%dma_wait3A_144 : memref<10112x48xf32, #tpu.memory_space<vmem_shared>>)
        tpu.yield
      }) : () -> ()
      %mul3A_104 = arith.constant 2 : i32
      %mul3A_105 = arith.muli %mul3A_104, %while3A_75 : i32
      %add3A_106 = arith.constant 1 : i32
      %add3A_107 = arith.addi %mul3A_105, %add3A_106 : i32
      %dma_wait3A_108 = arith.constant 0 : i32
      %dma_wait3A_109 = tpu.memref_slice %arg9[%add3A_107, %dma_wait3A_108] : memref<50x128xi32, #tpu.memory_space<vmem>> -> memref<1x128xi32, #tpu.memory_space<vmem>>
      %dma_wait3A_110 = tpu.memref_squeeze %dma_wait3A_109 : memref<1x128xi32, #tpu.memory_space<vmem>> -> memref<128xi32, #tpu.memory_space<vmem>>
      %dma_wait3A_111 = arith.constant 0 : i32
      %dma_wait3A_112 = arith.constant 0 : i32
      %dma_wait3A_113 = tpu.memref_slice %arg5[%dma_wait3A_111, %dma_wait3A_112] : memref<10000x64xf32, #tpu.memory_space<hbm>> -> memref<10000x64xf32, #tpu.memory_space<hbm>>
      tpu.wait_indirect_dma semaphore(%arg16 : memref<!tpu.dma_semaphore, #tpu.memory_space<semaphore_mem>>) src(%dma_wait3A_113 : memref<10000x64xf32, #tpu.memory_space<hbm>>) dst(%arg12 : memref<128x64xf32, #tpu.memory_space<vmem>>)
      %mul3A_114 = arith.constant 64 : i32
      %mul3A_115 = arith.muli %add3A_107, %mul3A_114 : i32
      %add3A_116 = arith.addi %sub3A, %mul3A_115 : i32
      %min3A_117 = arith.constant 3008 : i32
      %min3A_118 = arith.minsi %add3A_116, %min3A_117 : i32
      %scan3A_119 = arith.constant 0 : i32
      %scan3A_120 = arith.constant 0 : i32
      %scan3A_121 = arith.constant 64 : i32
      %scan3A_122 = arith.addi %scan3A_120, %scan3A_121 : i32
      %scan3A_123 = arith.constant 1 : i32
      scf.for %scan3A_133 = %scan3A_120 to %scan3A_122 step %scan3A_123  : i32 {
        %add3A_134 = arith.addi %min3A_118, %scan3A_133 : i32
        %mul3A_135 = arith.constant 16 : i32
        %mul3A_136 = arith.muli %add3A_134, %mul3A_135 : i32
        %multiple_of3A_137 = tpu.assume_multiple %mul3A_136, 16 : i32
        %get3A = arith.index_cast %multiple_of3A_137 : i32 to index
        %get3A_138 = tpu.vector_load %arg10[%get3A] {strides = array<i32>} : memref<49152xf32, #tpu.memory_space<vmem>>, vector<16xf32>,
        %get3A_139 = vector.shape_cast %get3A_138 : vector<16xf32> to vector<16xf32>
        %mul3A_140 = arith.constant 2 : i32
        %mul3A_141 = arith.muli %mul3A_140, %scan3A_133 : i32
        %add3A_142 = arith.constant 0 : i32
        %add3A_143 = arith.addi %mul3A_141, %add3A_142 : i32
        %get3A_144 = arith.index_cast %add3A_143 : i32 to index
        %get3A_145 = arith.constant 0 : index
        %get3A_146 = tpu.vector_load %arg12[%get3A_144, %get3A_145] {strides = array<i32>} : memref<128x64xf32, #tpu.memory_space<vmem>>, vector<1x16xf32>,
        %get3A_147 = vector.shape_cast %get3A_146 : vector<1x16xf32> to vector<16xf32>
        %get3A_148 = arith.index_cast %add3A_143 : i32 to index
        %get3A_149 = arith.constant 16 : index
        %get3A_150 = tpu.vector_load %arg12[%get3A_148, %get3A_149] {strides = array<i32>} : memref<128x64xf32, #tpu.memory_space<vmem>>, vector<1x16xf32>,
        %get3A_151 = vector.shape_cast %get3A_150 : vector<1x16xf32> to vector<16xf32>
        %get3A_152 = arith.index_cast %add3A_143 : i32 to index
        %get3A_153 = arith.constant 32 : index
        %get3A_154 = tpu.vector_load %arg12[%get3A_152, %get3A_153] {strides = array<i32>} : memref<128x64xf32, #tpu.memory_space<vmem>>, vector<1x16xf32>,
        %get3A_155 = vector.shape_cast %get3A_154 : vector<1x16xf32> to vector<16xf32>
        %get3A_156 = arith.index_cast %add3A_143 : i32 to index
        %get3A_157 = arith.constant 48 : index
        %get3A_158 = tpu.vector_load %arg12[%get3A_156, %get3A_157] {strides = array<i32>} : memref<128x64xf32, #tpu.memory_space<vmem>>, vector<1x16xf32>,
        %get3A_159 = vector.shape_cast %get3A_158 : vector<1x16xf32> to vector<16xf32>
        %slice3A = vector.extract_strided_slice %get3A_139 {offsets = [0], sizes = [1], strides = [1]} : vector<16xf32> to vector<1xf32>
        %squeeze3A = vector.extract %slice3A[0] : f32 from vector<1xf32>
        %mul3A_160 = vector.broadcast %squeeze3A : f32 to vector<16xf32>
        %mul3A_161 = arith.mulf %mul3A_160, %get3A_147 : vector<16xf32>
        %slice3A_162 = vector.extract_strided_slice %get3A_139 {offsets = [2], sizes = [1], strides = [1]} : vector<16xf32> to vector<1xf32>
        %squeeze3A_163 = vector.extract %slice3A_162[0] : f32 from vector<1xf32>
        %mul3A_164 = vector.broadcast %squeeze3A_163 : f32 to vector<16xf32>
        %mul3A_165 = arith.mulf %mul3A_164, %get3A_151 : vector<16xf32>
        %add3A_166 = arith.addf %mul3A_161, %mul3A_165 : vector<16xf32>
        %swap3A = arith.index_cast %add3A_143 : i32 to index
        %swap3A_167 = arith.constant 0 : index
        %swap3A_168 = tpu.vector_load %arg13[%swap3A, %swap3A_167] {strides = array<i32>} : memref<128x48xf32, #tpu.memory_space<vmem>>, vector<1x16xf32>,
        %swap3A_169 = vector.shape_cast %swap3A_168 : vector<1x16xf32> to vector<16xf32>
        %swap3A_170 = vector.shape_cast %add3A_166 : vector<16xf32> to vector<1x16xf32>
        tpu.vector_store %arg13[%swap3A, %swap3A_167], %swap3A_170 {strides = array<i32>} : memref<128x48xf32, #tpu.memory_space<vmem>>, vector<1x16xf32>,
        %slice3A_171 = vector.extract_strided_slice %get3A_139 {offsets = [4], sizes = [1], strides = [1]} : vector<16xf32> to vector<1xf32>
        %squeeze3A_172 = vector.extract %slice3A_171[0] : f32 from vector<1xf32>
        %mul3A_173 = vector.broadcast %squeeze3A_172 : f32 to vector<16xf32>
        %mul3A_174 = arith.mulf %mul3A_173, %get3A_155 : vector<16xf32>
        %slice3A_175 = vector.extract_strided_slice %get3A_139 {offsets = [6], sizes = [1], strides = [1]} : vector<16xf32> to vector<1xf32>
        %squeeze3A_176 = vector.extract %slice3A_175[0] : f32 from vector<1xf32>
        %mul3A_177 = vector.broadcast %squeeze3A_176 : f32 to vector<16xf32>
        %mul3A_178 = arith.mulf %mul3A_177, %get3A_159 : vector<16xf32>
        %add3A_179 = arith.addf %mul3A_174, %mul3A_178 : vector<16xf32>
        %swap3A_180 = arith.index_cast %add3A_143 : i32 to index
        %swap3A_181 = arith.constant 16 : index
        %swap3A_182 = tpu.vector_load %arg13[%swap3A_180, %swap3A_181] {strides = array<i32>} : memref<128x48xf32, #tpu.memory_space<vmem>>, vector<1x16xf32>,
        %swap3A_183 = vector.shape_cast %swap3A_182 : vector<1x16xf32> to vector<16xf32>
        %swap3A_184 = vector.shape_cast %add3A_179 : vector<16xf32> to vector<1x16xf32>
        tpu.vector_store %arg13[%swap3A_180, %swap3A_181], %swap3A_184 {strides = array<i32>} : memref<128x48xf32, #tpu.memory_space<vmem>>, vector<1x16xf32>,
        %slice3A_185 = vector.extract_strided_slice %get3A_139 {offsets = [5], sizes = [1], strides = [1]} : vector<16xf32> to vector<1xf32>
        %squeeze3A_186 = vector.extract %slice3A_185[0] : f32 from vector<1xf32>
        %mul3A_187 = vector.broadcast %squeeze3A_186 : f32 to vector<16xf32>
        %mul3A_188 = arith.mulf %mul3A_187, %get3A_155 : vector<16xf32>
        %slice3A_189 = vector.extract_strided_slice %get3A_139 {offsets = [7], sizes = [1], strides = [1]} : vector<16xf32> to vector<1xf32>
        %squeeze3A_190 = vector.extract %slice3A_189[0] : f32 from vector<1xf32>
        %mul3A_191 = vector.broadcast %squeeze3A_190 : f32 to vector<16xf32>
        %mul3A_192 = arith.mulf %mul3A_191, %get3A_159 : vector<16xf32>
        %add3A_193 = arith.addf %mul3A_188, %mul3A_192 : vector<16xf32>
        %swap3A_194 = arith.index_cast %add3A_143 : i32 to index
        %swap3A_195 = arith.constant 32 : index
        %swap3A_196 = tpu.vector_load %arg13[%swap3A_194, %swap3A_195] {strides = array<i32>} : memref<128x48xf32, #tpu.memory_space<vmem>>, vector<1x16xf32>,
        %swap3A_197 = vector.shape_cast %swap3A_196 : vector<1x16xf32> to vector<16xf32>
        %swap3A_198 = vector.shape_cast %add3A_193 : vector<16xf32> to vector<1x16xf32>
        tpu.vector_store %arg13[%swap3A_194, %swap3A_195], %swap3A_198 {strides = array<i32>} : memref<128x48xf32, #tpu.memory_space<vmem>>, vector<1x16xf32>,
        %mul3A_199 = arith.constant 2 : i32
        %mul3A_200 = arith.muli %mul3A_199, %scan3A_133 : i32
        %add3A_201 = arith.constant 1 : i32
        %add3A_202 = arith.addi %mul3A_200, %add3A_201 : i32
        %get3A_203 = arith.index_cast %add3A_202 : i32 to index
        %get3A_204 = arith.constant 0 : index
        %get3A_205 = tpu.vector_load %arg12[%get3A_203, %get3A_204] {strides = array<i32>} : memref<128x64xf32, #tpu.memory_space<vmem>>, vector<1x16xf32>,
        %get3A_206 = vector.shape_cast %get3A_205 : vector<1x16xf32> to vector<16xf32>
        %get3A_207 = arith.index_cast %add3A_202 : i32 to index
        %get3A_208 = arith.constant 16 : index
        %get3A_209 = tpu.vector_load %arg12[%get3A_207, %get3A_208] {strides = array<i32>} : memref<128x64xf32, #tpu.memory_space<vmem>>, vector<1x16xf32>,
        %get3A_210 = vector.shape_cast %get3A_209 : vector<1x16xf32> to vector<16xf32>
        %get3A_211 = arith.index_cast %add3A_202 : i32 to index
        %get3A_212 = arith.constant 32 : index
        %get3A_213 = tpu.vector_load %arg12[%get3A_211, %get3A_212] {strides = array<i32>} : memref<128x64xf32, #tpu.memory_space<vmem>>, vector<1x16xf32>,
        %get3A_214 = vector.shape_cast %get3A_213 : vector<1x16xf32> to vector<16xf32>
        %get3A_215 = arith.index_cast %add3A_202 : i32 to index
        %get3A_216 = arith.constant 48 : index
        %get3A_217 = tpu.vector_load %arg12[%get3A_215, %get3A_216] {strides = array<i32>} : memref<128x64xf32, #tpu.memory_space<vmem>>, vector<1x16xf32>,
        %get3A_218 = vector.shape_cast %get3A_217 : vector<1x16xf32> to vector<16xf32>
        %slice3A_219 = vector.extract_strided_slice %get3A_139 {offsets = [8], sizes = [1], strides = [1]} : vector<16xf32> to vector<1xf32>
        %squeeze3A_220 = vector.extract %slice3A_219[0] : f32 from vector<1xf32>
        %mul3A_221 = vector.broadcast %squeeze3A_220 : f32 to vector<16xf32>
        %mul3A_222 = arith.mulf %mul3A_221, %get3A_206 : vector<16xf32>
        %slice3A_223 = vector.extract_strided_slice %get3A_139 {offsets = [10], sizes = [1], strides = [1]} : vector<16xf32> to vector<1xf32>
        %squeeze3A_224 = vector.extract %slice3A_223[0] : f32 from vector<1xf32>
        %mul3A_225 = vector.broadcast %squeeze3A_224 : f32 to vector<16xf32>
        %mul3A_226 = arith.mulf %mul3A_225, %get3A_210 : vector<16xf32>
        %add3A_227 = arith.addf %mul3A_222, %mul3A_226 : vector<16xf32>
        %swap3A_228 = arith.index_cast %add3A_202 : i32 to index
        %swap3A_229 = arith.constant 0 : index
        %swap3A_230 = tpu.vector_load %arg13[%swap3A_228, %swap3A_229] {strides = array<i32>} : memref<128x48xf32, #tpu.memory_space<vmem>>, vector<1x16xf32>,
        %swap3A_231 = vector.shape_cast %swap3A_230 : vector<1x16xf32> to vector<16xf32>
        %swap3A_232 = vector.shape_cast %add3A_227 : vector<16xf32> to vector<1x16xf32>
        tpu.vector_store %arg13[%swap3A_228, %swap3A_229], %swap3A_232 {strides = array<i32>} : memref<128x48xf32, #tpu.memory_space<vmem>>, vector<1x16xf32>,
        %slice3A_233 = vector.extract_strided_slice %get3A_139 {offsets = [12], sizes = [1], strides = [1]} : vector<16xf32> to vector<1xf32>
        %squeeze3A_234 = vector.extract %slice3A_233[0] : f32 from vector<1xf32>
        %mul3A_235 = vector.broadcast %squeeze3A_234 : f32 to vector<16xf32>
        %mul3A_236 = arith.mulf %mul3A_235, %get3A_214 : vector<16xf32>
        %slice3A_237 = vector.extract_strided_slice %get3A_139 {offsets = [14], sizes = [1], strides = [1]} : vector<16xf32> to vector<1xf32>
        %squeeze3A_238 = vector.extract %slice3A_237[0] : f32 from vector<1xf32>
        %mul3A_239 = vector.broadcast %squeeze3A_238 : f32 to vector<16xf32>
        %mul3A_240 = arith.mulf %mul3A_239, %get3A_218 : vector<16xf32>
        %add3A_241 = arith.addf %mul3A_236, %mul3A_240 : vector<16xf32>
        %swap3A_242 = arith.index_cast %add3A_202 : i32 to index
        %swap3A_243 = arith.constant 16 : index
        %swap3A_244 = tpu.vector_load %arg13[%swap3A_242, %swap3A_243] {strides = array<i32>} : memref<128x48xf32, #tpu.memory_space<vmem>>, vector<1x16xf32>,
        %swap3A_245 = vector.shape_cast %swap3A_244 : vector<1x16xf32> to vector<16xf32>
        %swap3A_246 = vector.shape_cast %add3A_241 : vector<16xf32> to vector<1x16xf32>
        tpu.vector_store %arg13[%swap3A_242, %swap3A_243], %swap3A_246 {strides = array<i32>} : memref<128x48xf32, #tpu.memory_space<vmem>>, vector<1x16xf32>,
        %slice3A_247 = vector.extract_strided_slice %get3A_139 {offsets = [13], sizes = [1], strides = [1]} : vector<16xf32> to vector<1xf32>
        %squeeze3A_248 = vector.extract %slice3A_247[0] : f32 from vector<1xf32>
        %mul3A_249 = vector.broadcast %squeeze3A_248 : f32 to vector<16xf32>
        %mul3A_250 = arith.mulf %mul3A_249, %get3A_214 : vector<16xf32>
        %slice3A_251 = vector.extract_strided_slice %get3A_139 {offsets = [15], sizes = [1], strides = [1]} : vector<16xf32> to vector<1xf32>
        %squeeze3A_252 = vector.extract %slice3A_251[0] : f32 from vector<1xf32>
        %mul3A_253 = vector.broadcast %squeeze3A_252 : f32 to vector<16xf32>
        %mul3A_254 = arith.mulf %mul3A_253, %get3A_218 : vector<16xf32>
        %add3A_255 = arith.addf %mul3A_250, %mul3A_254 : vector<16xf32>
        %swap3A_256 = arith.index_cast %add3A_202 : i32 to index
        %swap3A_257 = arith.constant 32 : index
        %swap3A_258 = tpu.vector_load %arg13[%swap3A_256, %swap3A_257] {strides = array<i32>} : memref<128x48xf32, #tpu.memory_space<vmem>>, vector<1x16xf32>,
        %swap3A_259 = vector.shape_cast %swap3A_258 : vector<1x16xf32> to vector<16xf32>
        %swap3A_260 = vector.shape_cast %add3A_255 : vector<16xf32> to vector<1x16xf32>
        tpu.vector_store %arg13[%swap3A_256, %swap3A_257], %swap3A_260 {strides = array<i32>} : memref<128x48xf32, #tpu.memory_space<vmem>>, vector<1x16xf32>,
      }
      %scan3A_124 = arith.constant 64 : i32
      %add3A_125 = arith.constant 2 : i32
      %add3A_126 = arith.addi %add3A_107, %add3A_125 : i32
      %dma_start3A_127 = arith.constant 0 : i32
      %dma_start3A_128 = tpu.memref_slice %arg9[%add3A_126, %dma_start3A_127] : memref<50x128xi32, #tpu.memory_space<vmem>> -> memref<1x128xi32, #tpu.memory_space<vmem>>
      %dma_start3A_129 = tpu.memref_squeeze %dma_start3A_128 : memref<1x128xi32, #tpu.memory_space<vmem>> -> memref<128xi32, #tpu.memory_space<vmem>>
      %dma_start3A_130 = arith.constant 0 : i32
      %dma_start3A_131 = arith.constant 0 : i32
      %dma_start3A_132 = tpu.memref_slice %arg5[%dma_start3A_130, %dma_start3A_131] : memref<10000x64xf32, #tpu.memory_space<hbm>> -> memref<10000x64xf32, #tpu.memory_space<hbm>>
      tpu.enqueue_indirect_dma source(%dma_start3A_132 : memref<10000x64xf32, #tpu.memory_space<hbm>>) target(%arg12 : memref<128x64xf32, #tpu.memory_space<vmem>>) offsets(%dma_start3A_129 : memref<128xi32, #tpu.memory_space<vmem>>) semaphore(%arg16 : memref<!tpu.dma_semaphore, #tpu.memory_space<semaphore_mem>>)
      "tpu.region"() ({
        %run_scoped3A = tpu.sem_alloc : memref<!tpu.dma_semaphore, #tpu.memory_space<semaphore_mem>>
        %dma_start3A_133 = arith.constant 0 : i32
        %dma_start3A_134 = tpu.memref_slice %arg8[%add3A_107, %dma_start3A_133] : memref<50x128xi32, #tpu.memory_space<vmem>> -> memref<1x128xi32, #tpu.memory_space<vmem>>
        %dma_start3A_135 = tpu.memref_squeeze %dma_start3A_134 : memref<1x128xi32, #tpu.memory_space<vmem>> -> memref<128xi32, #tpu.memory_space<vmem>>
        %dma_start3A_136 = arith.constant 0 : i32
        %dma_start3A_137 = arith.constant 0 : i32
        %dma_start3A_138 = tpu.memref_slice %arg14[%dma_start3A_136, %dma_start3A_137] : memref<10112x48xf32, #tpu.memory_space<vmem_shared>> -> memref<10112x48xf32, #tpu.memory_space<vmem_shared>>
        tpu.enqueue_indirect_dma source(%arg13 : memref<128x48xf32, #tpu.memory_space<vmem>>) target(%dma_start3A_138 : memref<10112x48xf32, #tpu.memory_space<vmem_shared>>) offsets(%dma_start3A_135 : memref<128xi32, #tpu.memory_space<vmem>>) semaphore(%run_scoped3A : memref<!tpu.dma_semaphore, #tpu.memory_space<semaphore_mem>>) {add = true}
        %dma_wait3A_139 = arith.constant 0 : i32
        %dma_wait3A_140 = tpu.memref_slice %arg8[%add3A_107, %dma_wait3A_139] : memref<50x128xi32, #tpu.memory_space<vmem>> -> memref<1x128xi32, #tpu.memory_space<vmem>>
        %dma_wait3A_141 = tpu.memref_squeeze %dma_wait3A_140 : memref<1x128xi32, #tpu.memory_space<vmem>> -> memref<128xi32, #tpu.memory_space<vmem>>
        %dma_wait3A_142 = arith.constant 0 : i32
        %dma_wait3A_143 = arith.constant 0 : i32
        %dma_wait3A_144 = tpu.memref_slice %arg14[%dma_wait3A_142, %dma_wait3A_143] : memref<10112x48xf32, #tpu.memory_space<vmem_shared>> -> memref<10112x48xf32, #tpu.memory_space<vmem_shared>>
        tpu.wait_indirect_dma semaphore(%run_scoped3A : memref<!tpu.dma_semaphore, #tpu.memory_space<semaphore_mem>>) src(%arg13 : memref<128x48xf32, #tpu.memory_space<vmem>>) dst(%dma_wait3A_144 : memref<10112x48xf32, #tpu.memory_space<vmem_shared>>)
        tpu.yield
      }) : () -> ()
    }
    %dma_wait3A = arith.constant 0 : i32
    %dma_wait3A_61 = tpu.memref_slice %arg9[%select_n3A, %dma_wait3A] : memref<50x128xi32, #tpu.memory_space<vmem>> -> memref<1x128xi32, #tpu.memory_space<vmem>>
    %dma_wait3A_62 = tpu.memref_squeeze %dma_wait3A_61 : memref<1x128xi32, #tpu.memory_space<vmem>> -> memref<128xi32, #tpu.memory_space<vmem>>
    %dma_wait3A_63 = arith.constant 0 : i32
    %dma_wait3A_64 = arith.constant 0 : i32
    %dma_wait3A_65 = tpu.memref_slice %arg5[%dma_wait3A_63, %dma_wait3A_64] : memref<10000x64xf32, #tpu.memory_space<hbm>> -> memref<10000x64xf32, #tpu.memory_space<hbm>>
    tpu.wait_indirect_dma semaphore(%arg15 : memref<!tpu.dma_semaphore, #tpu.memory_space<semaphore_mem>>) src(%dma_wait3A_65 : memref<10000x64xf32, #tpu.memory_space<hbm>>) dst(%arg11 : memref<128x64xf32, #tpu.memory_space<vmem>>)
    %add3A_66 = arith.constant 1 : i32
    %add3A_67 = arith.addi %select_n3A, %add3A_66 : i32
    %dma_wait3A_68 = arith.constant 0 : i32
    %dma_wait3A_69 = tpu.memref_slice %arg9[%add3A_67, %dma_wait3A_68] : memref<50x128xi32, #tpu.memory_space<vmem>> -> memref<1x128xi32, #tpu.memory_space<vmem>>
    %dma_wait3A_70 = tpu.memref_squeeze %dma_wait3A_69 : memref<1x128xi32, #tpu.memory_space<vmem>> -> memref<128xi32, #tpu.memory_space<vmem>>
    %dma_wait3A_71 = arith.constant 0 : i32
    %dma_wait3A_72 = arith.constant 0 : i32
    %dma_wait3A_73 = tpu.memref_slice %arg5[%dma_wait3A_71, %dma_wait3A_72] : memref<10000x64xf32, #tpu.memory_space<hbm>> -> memref<10000x64xf32, #tpu.memory_space<hbm>>
    tpu.wait_indirect_dma semaphore(%arg16 : memref<!tpu.dma_semaphore, #tpu.memory_space<semaphore_mem>>) src(%dma_wait3A_73 : memref<10000x64xf32, #tpu.memory_space<hbm>>) dst(%arg12 : memref<128x64xf32, #tpu.memory_space<vmem>>)
    %barrier3A_74 = arith.constant 0 : index
    tpu.barrier barrier_id(%barrier3A_74)
    "tpu.region"() ({
      %run_scoped3A = tpu.sem_alloc : memref<!tpu.dma_semaphore, #tpu.memory_space<semaphore_mem>>
      %dma_start3A_75 = arith.constant 0 : i32
      %dma_start3A_76 = tpu.memref_slice %arg7[%arg0, %multiple_of3A_19, %dma_start3A_75] : memref<2x10112x48xf32, #tpu.memory_space<hbm>> -> memref<1x632x48xf32, #tpu.memory_space<hbm>>
      %dma_start3A_77 = tpu.memref_squeeze %dma_start3A_76 : memref<1x632x48xf32, #tpu.memory_space<hbm>> -> memref<632x48xf32, #tpu.memory_space<hbm>>
      %dma_start3A_78 = arith.constant 0 : i32
      %dma_start3A_79 = tpu.memref_slice %arg14[%multiple_of3A_19, %dma_start3A_78] : memref<10112x48xf32, #tpu.memory_space<vmem_shared>> -> memref<632x48xf32, #tpu.memory_space<vmem_shared>>
      tpu.enqueue_dma source(%dma_start3A_79 : memref<632x48xf32, #tpu.memory_space<vmem_shared>>) target(%dma_start3A_77 : memref<632x48xf32, #tpu.memory_space<hbm>>) target_semaphore(%run_scoped3A : memref<!tpu.dma_semaphore, #tpu.memory_space<semaphore_mem>>)
      %dma_wait3A_80 = arith.constant 0 : i32
      %dma_wait3A_81 = tpu.memref_slice %arg7[%arg0, %multiple_of3A_19, %dma_wait3A_80] : memref<2x10112x48xf32, #tpu.memory_space<hbm>> -> memref<1x632x48xf32, #tpu.memory_space<hbm>>
      %dma_wait3A_82 = tpu.memref_squeeze %dma_wait3A_81 : memref<1x632x48xf32, #tpu.memory_space<hbm>> -> memref<632x48xf32, #tpu.memory_space<hbm>>
      %dma_wait3A_83 = arith.constant 0 : i32
      %dma_wait3A_84 = tpu.memref_slice %arg14[%multiple_of3A_19, %dma_wait3A_83] : memref<10112x48xf32, #tpu.memory_space<vmem_shared>> -> memref<632x48xf32, #tpu.memory_space<vmem_shared>>
      tpu.wait_dma2 semaphore(%run_scoped3A : memref<!tpu.dma_semaphore, #tpu.memory_space<semaphore_mem>>) src(%dma_wait3A_84 : memref<632x48xf32, #tpu.memory_space<vmem_shared>>) dst(%dma_wait3A_82 : memref<632x48xf32, #tpu.memory_space<hbm>>)
      tpu.yield
    }) : () -> ()
    return
  }
}

module attributes {stable_mosaic.version = 14 : i64} {
  func.func @_zmat_body(%arg0: i32, %arg1: memref<1000x128xf32, #tpu.memory_space<vmem>>, %arg2: memref<64x128xf32, #tpu.memory_space<vmem>>, %arg3: memref<1000x64xf32, #tpu.memory_space<vmem>>) attributes {dimension_semantics = [#tpu.dimension_semantics<arbitrary>], iteration_bounds = array<i64: 10>, scalar_prefetch = 0 : i64, scratch_operands = 0 : i64, tpu.core_type = #tpu.core_type<tc>, window_params = [{transform_indices = @transform_0, window_bounds = array<i64: 1000, 128>}, {pipeline_mode = #tpu.pipeline_mode<synchronous>, transform_indices = @transform_1, window_bounds = array<i64: 64, 128>}, {transform_indices = @transform_2, window_bounds = array<i64: 1000, 64>}]} {
    %get3A = arith.constant 0 : index
    %get3A_0 = arith.constant 0 : index
    %get3A_1 = vector.load %arg1[%get3A, %get3A_0] : memref<1000x128xf32, #tpu.memory_space<vmem>>, vector<1000x128xf32>
    %get3A_2 = arith.constant 0 : index
    %get3A_3 = arith.constant 0 : index
    %get3A_4 = vector.load %arg2[%get3A_2, %get3A_3] : memref<64x128xf32, #tpu.memory_space<vmem>>, vector<64x128xf32>
    %dot_general3A = arith.constant dense<0.000000e+00> : vector<1000x64xf32>
    %dot_general3A_5 = tpu.matmul %get3A_1, %get3A_4, %dot_general3A {dimension_numbers = #tpu.dot_dimension_numbers<[1], [1], [0], [0], [0, 0, 1, 0], [], []>, transpose_lhs_hint = false} : vector<1000x128xf32>, vector<64x128xf32>, vector<1000x64xf32> -> vector<1000x64xf32>
    %swap3A = arith.constant 0 : index
    %swap3A_6 = arith.constant 0 : index
    %swap3A_7 = vector.load %arg3[%swap3A, %swap3A_6] : memref<1000x64xf32, #tpu.memory_space<vmem>>, vector<1000x64xf32>
    tpu.vector_store %arg3[%swap3A, %swap3A_6], %dot_general3A_5 {strides = array<i32>} : memref<1000x64xf32, #tpu.memory_space<vmem>>, vector<1000x64xf32>,
    return
  }
  func.func @transform_0(%arg0: i32) -> (i32, i32) {
    %c0_i32 = arith.constant 0 : i32
    %c0_i32_0 = arith.constant 0 : i32
    return %arg0, %c0_i32 : i32, i32
  }
  func.func @transform_1(%arg0: i32) -> (i32, i32) {
    %c0_i32 = arith.constant 0 : i32
    %c0_i32_0 = arith.constant 0 : i32
    %c0_i32_1 = arith.constant 0 : i32
    return %c0_i32, %c0_i32_0 : i32, i32
  }
  func.func @transform_2(%arg0: i32) -> (i32, i32) {
    %c0_i32 = arith.constant 0 : i32
    %c0_i32_0 = arith.constant 0 : i32
    return %arg0, %c0_i32 : i32, i32
  }
}

module attributes {stable_mosaic.version = 14 : i64} {
  func.func @_epilogue_body(%arg0: i32, %arg1: memref<1x1000x48xf32, #tpu.memory_space<vmem>>, %arg2: memref<1x1000x48xf32, #tpu.memory_space<vmem>>, %arg3: memref<1x16xf32, #tpu.memory_space<vmem>>, %arg4: memref<1000x16xf32, #tpu.memory_space<vmem>>) attributes {dimension_semantics = [#tpu.dimension_semantics<arbitrary>], iteration_bounds = array<i64: 10>, scalar_prefetch = 0 : i64, scratch_operands = 0 : i64, tpu.core_type = #tpu.core_type<tc>, window_params = [{transform_indices = @transform_0, window_bounds = array<i64: 1, 1000, 48>}, {transform_indices = @transform_1, window_bounds = array<i64: 1, 1000, 48>}, {pipeline_mode = #tpu.pipeline_mode<synchronous>, transform_indices = @transform_2, window_bounds = array<i64: 1, 16>}, {transform_indices = @transform_3, window_bounds = array<i64: 1000, 16>}]} {
    %get3A = arith.constant 0 : index
    %get3A_0 = arith.constant 0 : index
    %get3A_1 = arith.constant 0 : index
    %get3A_2 = vector.load %arg1[%get3A, %get3A_0, %get3A_1] : memref<1x1000x48xf32, #tpu.memory_space<vmem>>, vector<1x1000x48xf32>
    %get3A_3 = vector.shape_cast %get3A_2 : vector<1x1000x48xf32> to vector<1000x48xf32>
    %get3A_4 = arith.constant 0 : index
    %get3A_5 = arith.constant 0 : index
    %get3A_6 = arith.constant 0 : index
    %get3A_7 = vector.load %arg2[%get3A_4, %get3A_5, %get3A_6] : memref<1x1000x48xf32, #tpu.memory_space<vmem>>, vector<1x1000x48xf32>
    %get3A_8 = vector.shape_cast %get3A_7 : vector<1x1000x48xf32> to vector<1000x48xf32>
    %add3A = arith.addf %get3A_3, %get3A_8 : vector<1000x48xf32>
    %slice3A = vector.extract_strided_slice %add3A {offsets = [0, 0], sizes = [1000, 16], strides = [1, 1]} : vector<1000x48xf32> to vector<1000x16xf32>
    %slice3A_9 = vector.extract_strided_slice %add3A {offsets = [0, 16], sizes = [1000, 16], strides = [1, 1]} : vector<1000x48xf32> to vector<1000x16xf32>
    %slice3A_10 = vector.extract_strided_slice %add3A {offsets = [0, 32], sizes = [1000, 16], strides = [1, 1]} : vector<1000x48xf32> to vector<1000x16xf32>
    %mul3A = arith.mulf %slice3A, %slice3A : vector<1000x16xf32>
    %max3A = arith.constant 9.99999996E-13 : f32
    %max3A_11 = vector.broadcast %max3A : f32 to vector<1000x16xf32>
    %max3A_12 = arith.maximumf %mul3A, %max3A_11 : vector<1000x16xf32>
    %sqrt3A = math.sqrt %max3A_12 : vector<1000x16xf32>
    %mul3A_13 = arith.mulf %slice3A_9, %slice3A_9 : vector<1000x16xf32>
    %mul3A_14 = arith.mulf %slice3A_10, %slice3A_10 : vector<1000x16xf32>
    %add3A_15 = arith.addf %mul3A_13, %mul3A_14 : vector<1000x16xf32>
    %max3A_16 = arith.constant 9.99999996E-13 : f32
    %max3A_17 = vector.broadcast %max3A_16 : f32 to vector<1000x16xf32>
    %max3A_18 = arith.maximumf %add3A_15, %max3A_17 : vector<1000x16xf32>
    %sqrt3A_19 = math.sqrt %max3A_18 : vector<1000x16xf32>
    %add3A_20 = arith.addf %sqrt3A, %sqrt3A_19 : vector<1000x16xf32>
    %get3A_21 = arith.constant 0 : index
    %get3A_22 = arith.constant 0 : index
    %get3A_23 = vector.load %arg3[%get3A_21, %get3A_22] : memref<1x16xf32, #tpu.memory_space<vmem>>, vector<1x16xf32>
    %add3A_24 = vector.broadcast %get3A_23 : vector<1x16xf32> to vector<1000x16xf32>
    %add3A_25 = arith.addf %add3A_20, %add3A_24 : vector<1000x16xf32>
    %reduce_max3A = arith.constant dense<0xFF800000> : vector<1000xf32>
    %reduce_max3A_26 = vector.multi_reduction <maximumf>, %add3A_25, %reduce_max3A [1] : vector<1000x16xf32> to vector<1000xf32>
    %broadcast_in_dim3A = vector.shape_cast %reduce_max3A_26 : vector<1000xf32> to vector<1000x1xf32>
    %sub3A = vector.broadcast %broadcast_in_dim3A : vector<1000x1xf32> to vector<1000x16xf32>
    %sub3A_27 = arith.subf %add3A_25, %sub3A : vector<1000x16xf32>
    %exp3A = math.exp %sub3A_27 : vector<1000x16xf32>
    %reduce_sum3A = arith.constant dense<0.000000e+00> : vector<1000xf32>
    %reduce_sum3A_28 = vector.multi_reduction <add>, %exp3A, %reduce_sum3A [1] : vector<1000x16xf32> to vector<1000xf32>
    %broadcast_in_dim3A_29 = vector.shape_cast %reduce_sum3A_28 : vector<1000xf32> to vector<1000x1xf32>
    %log3A = math.log %broadcast_in_dim3A_29 : vector<1000x1xf32>
    %add3A_30 = arith.addf %broadcast_in_dim3A, %log3A : vector<1000x1xf32>
    %sub3A_31 = vector.broadcast %add3A_30 : vector<1000x1xf32> to vector<1000x16xf32>
    %sub3A_32 = arith.subf %add3A_25, %sub3A_31 : vector<1000x16xf32>
    %swap3A = arith.constant 0 : index
    %swap3A_33 = arith.constant 0 : index
    %swap3A_34 = vector.load %arg4[%swap3A, %swap3A_33] : memref<1000x16xf32, #tpu.memory_space<vmem>>, vector<1000x16xf32>
    tpu.vector_store %arg4[%swap3A, %swap3A_33], %sub3A_32 {strides = array<i32>} : memref<1000x16xf32, #tpu.memory_space<vmem>>, vector<1000x16xf32>,
    return
  }
  func.func @transform_0(%arg0: i32) -> (i32, i32, i32) {
    %c0_i32 = arith.constant 0 : i32
    %c0_i32_0 = arith.constant 0 : i32
    %c0_i32_1 = arith.constant 0 : i32
    return %c0_i32, %arg0, %c0_i32_0 : i32, i32, i32
  }
  func.func @transform_1(%arg0: i32) -> (i32, i32, i32) {
    %c1_i32 = arith.constant 1 : i32
    %c0_i32 = arith.constant 0 : i32
    %c0_i32_0 = arith.constant 0 : i32
    return %c1_i32, %arg0, %c0_i32 : i32, i32, i32
  }
  func.func @transform_2(%arg0: i32) -> (i32, i32) {
    %c0_i32 = arith.constant 0 : i32
    %c0_i32_0 = arith.constant 0 : i32
    %c0_i32_1 = arith.constant 0 : i32
    return %c0_i32, %c0_i32_0 : i32, i32
  }
  func.func @transform_3(%arg0: i32) -> (i32, i32) {
    %c0_i32 = arith.constant 0 : i32
    %c0_i32_0 = arith.constant 0 : i32
    return %arg0, %c0_i32 : i32, i32
  }
}

</mosaic_0001>

<sc_bundles>
// kernel: kernel.5.cloned.1.call-start
scs
__scs_entry_jumppad:
0x0: {  	(pc) =	sbr.rel $0x88, $3  }
0x1: {  	(tag) =	ssettag $0x0;
	lr =	simm.s32 $0x1  }
0x2: {  	[smem:$0x3F9C] =	sst lr;
	_ =	strace $0xD0000000  }
0x3: {  	_ = 	snop  }
0x4: {  	_ = 	snop  }
0x5: {  	_ = 	snop  }
0x6: {  	_ = 	snop  }
0x7: {  	_ = 	snop  }
__scs_overlays_trampoline_lowered:
0x8: {  	[smem:$0x3FAB] =	sst s0  }
0x9: {  	[smem:$0x3FAC] =	sst s1  }
0xa: {  	[smem:$0x3FAD] =	sst s2  }
0xb: {  	[smem:$0x3FAE] =	sst s3  }
0xc: {  	[smem:$0x3FAF] =	sst s4  }
0xd: {  	[smem:$0x3FB0] =	sst s5  }
0xe: {  	[smem:$0x3FB1] =	sst s6  }
0xf: {  	[smem:$0x3FB2] =	sst s7  }
0x10: {  	[smem:$0x3FB3] =	sst s8  }
0x11: {  	[smem:$0x3FB4] =	sst s9;
	s0 =	simm.s32 @!p0 $0x0  }
0x12: {  	s1 =	sld [smem:$0x3F9A];
	s0 =	simm.s32 @p0 $0x1  }
0x13: {  	[smem:$0x3FB5] =	sst s0;
	s0 =	simm.s32 @!p1 $0x0  }
0x14: {  	s2 =	sld [smem:$0x3F99];
	s0 =	simm.s32 @p1 $0x1  }
0x15: {  	[smem:$0x3FB6] =	sst s0;
	s0 =	simm.s32 @!p2 $0x0  }
0x16: {  	s3 =	sld [smem:$0x3FDB];
	s0 =	simm.s32 @p2 $0x1  }
0x17: {  	s4 =	simm.s32 $0x1BF5;
	[smem:$0x3FB8] =	sst s0  }
0x18: {  	s0 =	sld [smem:$0x3F9B];
	_ =	swait.ge [sflag:s4], $0x0  }
0x19: {  	s7 =	sld [smem:$0x3F9C]  }
0x1a: {  	s8 =	sadd.s32 $0xFFFFE003, lr  }
0x1b: {  	s9 =	sadd.s32 $0xFFFFFEF7, lr;
	s5 =	simm.s32 $0xFFFFFFFF;
	p2 =	slt.u32 s8, $0xFFFFF086  }
0x1c: {  	p1 =	slt.u32 s9, $0xF7A;
	s5 =	simm.s32 @!p2 $0x0  }
0x1d: {  	s5 =	simm.s32 @p1 $0x1;
	p0 =	seq.s32 s7, s2  }
0x1e: {  	s7 =	smul.u32 @!p0 $0xF7A, s2;
	p2 =	seq.s32 @!p0 s5, $0x0  }
0x1f: {  	s9 =	smul.u32 $0xF7A, s1;
	s8 =	simm.s32 @!p0 $0x1BF5;
	p2 =	por !p2, p0  }
0x20: {  	[sflag:s8] =	ssyncset.s32 @!p0 $0xFFFFF086;
	s6 =	sadd.s32 @!p0 s3, s7;
	s7 =	simm.s32 @!p0 $0x108  }
0x21: {  	s3 =	sadd.s32 s3, s9;
	s6 =	sadd.s32 @!p0 $0x88, s6;
	s7 =	simm.s32 @p2 $0x1082  }
0x22: {  	[simem:s7], [sflag:s8] =	dma.local @!p0 [hbm:s6], $0xF7A  }
0x23: {  	s9 =	sor.u32 $0xD0000000, s2;
	s6 =	simm.s32 $0x108;
	_ =	swait.ge @!p0 [sflag:s8], $0x0  }
0x24: {  	s3 =	sadd.s32 $0x88, s3;
	s6 =	simm.s32 @!p1 $0x1082;
	[sflag:s4] =	ssyncset.s32 $0xFFFFF086  }
0x25: {  	[simem:s6], [sflag:s4] =	dma.local [hbm:s3], $0xF7A  }
0x26: {  	[smem:$0x3F9C] =	sst s1;
	(tag) =	ssettag s2;
	_ =	strace s9  }
0x27: {  	s1 =	sld [smem:$0x3FAC]  }
0x28: {  	s2 =	sld [smem:$0x3FAD]  }
0x29: {  	s4 =	sld [smem:$0x3FAF]  }
0x2a: {  	p0 =	seq.s32 s5, $0x0;
	s5 =	sld [smem:$0x3FB0]  }
0x2b: {  	s6 =	sld [smem:$0x3FB1]  }
0x2c: {  	s7 =	sld [smem:$0x3FB2]  }
0x2d: {  	s3 =	simm.s32 $0x108;
	s8 =	sld [smem:$0x3FB3]  }
0x2e: {  	s3 =	simm.s32 @!p0 $0x1082;
	s9 =	sld [smem:$0x3FB4]  }
0x2f: {  	lr =	sadd.s32 s0, s3;
	s0 =	sld [smem:$0x3FAB]  }
0x30: {  	s3 =	sld [smem:$0x3FAE]  }
0x31: {  	[smem:$0x3FB7] =	sst s10  }
0x32: {  	s10 =	sld [smem:$0x3FB5];
	_ =	sdelay $0x3  }
0x33: {  	p0 =	seq.s32 s10, $0x1;
	s10 =	sld [smem:$0x3FB7];
	_ =	sdelay $0x3  }
0x34: {  	[smem:$0x3FB7] =	sst s10  }
0x35: {  	s10 =	sld [smem:$0x3FB6];
	_ =	sdelay $0x3  }
0x36: {  	p1 =	seq.s32 s10, $0x1;
	s10 =	sld [smem:$0x3FB7];
	_ =	sdelay $0x3  }
0x37: {  	[smem:$0x3FB7] =	sst s10  }
0x38: {  	s10 =	sld [smem:$0x3FB8]  }
0x39: {  	_ = 	snop;
	(pc) =	sbr.ind lr, $3  }
0x3a: {  	_ = 	snop  }
0x3b: {  	_ = 	snop  }
0x3c: {  	p2 =	seq.s32 s10, $0x1;
	s10 =	sld [smem:$0x3FB7]  }
0x3d: {  	_ =	shalt  }
0x3e: {  	_ =	shalt  }
0x3f: {  	_ =	shalt  }
0x40: {  	_ =	shalt  }
0x41: {  	_ =	shalt  }
0x42: {  	_ =	shalt  }
0x43: {  	_ =	shalt  }
0x44: {  	_ =	shalt  }
0x45: {  	_ =	shalt  }
0x46: {  	_ =	shalt  }
0x47: {  	_ =	shalt  }
0x48: {  	_ =	shalt  }
0x49: {  	_ =	shalt  }
0x4a: {  	_ =	shalt  }
0x4b: {  	_ =	shalt  }
0x4c: {  	_ =	shalt  }
0x4d: {  	_ =	shalt  }
0x4e: {  	_ =	shalt  }
0x4f: {  	_ =	shalt  }
0x50: {  	_ =	shalt  }
0x51: {  	_ =	shalt  }
0x52: {  	_ =	shalt  }
0x53: {  	_ =	shalt  }
0x54: {  	_ =	shalt  }
0x55: {  	_ =	shalt  }
0x56: {  	_ =	shalt  }
0x57: {  	_ =	shalt  }
0x58: {  	_ =	shalt  }
0x59: {  	_ =	shalt  }
0x5a: {  	_ =	shalt  }
0x5b: {  	_ =	shalt  }
0x5c: {  	_ =	shalt  }
0x5d: {  	_ =	shalt  }
0x5e: {  	_ =	shalt  }
0x5f: {  	_ =	shalt  }
0x60: {  	_ =	shalt  }
0x61: {  	_ =	shalt  }
0x62: {  	_ =	shalt  }
0x63: {  	_ =	shalt  }
0x64: {  	_ =	shalt  }
0x65: {  	_ =	shalt  }
0x66: {  	_ =	shalt  }
0x67: {  	_ =	shalt  }
0x68: {  	_ =	shalt  }
0x69: {  	_ =	shalt  }
0x6a: {  	_ =	shalt  }
0x6b: {  	_ =	shalt  }
0x6c: {  	_ =	shalt  }
0x6d: {  	_ =	shalt  }
0x6e: {  	_ =	shalt  }
0x6f: {  	_ =	shalt  }
0x70: {  	_ =	shalt  }
0x71: {  	_ =	shalt  }
0x72: {  	_ =	shalt  }
0x73: {  	_ =	shalt  }
0x74: {  	_ =	shalt  }
0x75: {  	_ =	shalt  }
0x76: {  	_ =	shalt  }
0x77: {  	_ =	shalt  }
0x78: {  	_ =	shalt  }
0x79: {  	_ =	shalt  }
0x7a: {  	_ =	shalt  }
0x7b: {  	_ =	shalt  }
0x7c: {  	_ =	shalt  }
0x7d: {  	_ =	shalt  }
0x7e: {  	_ =	shalt  }
0x7f: {  	_ =	shalt  }
0x80: {  	_ =	shalt  }
0x81: {  	_ =	shalt  }
0x82: {  	_ =	shalt  }
0x83: {  	_ =	shalt  }
0x84: {  	_ =	shalt  }
0x85: {  	_ =	shalt  }
0x86: {  	_ =	shalt  }
0x87: {  	_ =	shalt  }
.Lfunc_end0:
.L_simem_size_0:
called_computation_lowered:
.L_overlay_start_0:
0x88: {  	s2 =	sld [smem:$0x3FD9]  }
0x89: {  	s3 =	sld [smem:$0x3FFE];
	_ =	sdelay $0x1  }
0x8a: {  	s1 =	srdreg.scid  }
0x8b: {  	s0 =	sand.u32 $0x1, s1  }
0x8c: {  	s16 =	sshll.u32 s0, $0xA;
	s2 =	sadd.s32 s3, s2  }
0x8d: {  	s2 =	sadd.s32 s2, s16  }
0x8e: {  	[smem:$0x3FC3] =	sst s2  }
0x8f: {  	_ = 	snop  }
0x90: {  	(tm) =	ssettm $0x1  }
0x91: {  	s17 =	sld [smem:$0x3FFB];
	_ =	sdelay $0x3  }
0x92: {  	_ =	strace s17  }
0x93: {  	s2 =	sld [smem:$0x3FFC];
	_ =	sdelay $0x3  }
0x94: {  	_ =	strace s2  }
0x95: {  	s2 =	sld [smem:$0x3FFD];
	_ =	sdelay $0x3  }
0x96: {  	_ =	strace s2  }
0x97: {  	_ =	strace $0x8FFFFFFF  }
0x98: {  	s18 =	sld [smem:$0x3FDB];
	_ =	sdelay $0x1  }
0x99: {  	s19 =	simm.s32 $_scs_section_size  }
0x9a: {  	s4 =	simm.s32 $_size__tile_overlayer_lowered;
	s5 =	simm.s32 $_tile_overlayer_lowered  }
0x9b: {  	s22 =	simm.s32 $0x1BFF;
	s21 =	sshll.u32 s5, $0x1;
	s2 =	sadd.s32 s19, s18  }
0x9c: {  	s6 =	simm.s32 $0x0;
	s20 =	sshll.u32 s4, $0x1;
	s4 =	sadd.s32 s21, s2  }
0x9d: {  	[timem:s6], [sflag:s22] =	dma.local [hbm:s4], s20  }
0x9e: {  	_ =	swait.ge [sflag:s22], s20  }
0x9f: {  	s3 =	ssub.s32 $0x0, s20;
	[sflag:s22] =	ssyncset.done $0x0  }
0xa0: {  	[sflag:s22] =	ssyncadd.s32 s3;
	_ =	sdelay $0x1  }
0xa1: {  	s23 =	simm.s32 $0x1B8B  }
0xa2: {  	_ =	swait.ge [sflag:s23], $0x1  }
0xa3: {  	[sflag:s23] =	ssyncset.done $0x0  }
0xa4: {  	s25 =	simm.s32 $0x1B8E;
	s24 =	sld [smem:$0x3FFE];
	[sflag:s23] =	ssyncadd.s32 $0xFFFFFFFF  }
0xa5: {  	s26 =	simm.s32 $execute0_lowered;
	[smem:$0x3FD2] =	sst s25  }
0xa6: {  	s4 =	sshll.u32 s26, $0x1;
	_ =	strace $0x80000046;
	[dreg:$0x1] =	wrdreg $0xFFFFFFFF  }
0xa7: {  	s28 =	simm.s32 $_size_execute0_lowered;
	s2 =	sadd.s32 s2, s4;
	[dreg:$0x0] =	wrdreg $0x0  }
0xa8: {  	s4 =	sshll.u32 s28, $0x1;
	[dreg:$0x2] =	wrdreg s2  }
0xa9: {  	[dreg:$0x3] =	wrdreg s4  }
0xaa: {  	[dreg:$0x4] =	wrdreg $0xC0  }
0xab: {  	_ =	task [dreg:s6], $0x5FFFF  }
0xac: {  	[dreg:$0x1] =	wrdreg $0xFFFFFFFF  }
0xad: {  	[dreg:$0x0] =	wrdreg $0x60  }
0xae: {  	[dreg:$0x2] =	wrdreg s24  }
0xaf: {  	[dreg:$0x3] =	wrdreg $0x14A000  }
0xb0: {  	[dreg:$0x4] =	wrdreg $0x9  }
0xb1: {  	_ =	task.clear_ibuf [dreg:s6], $0x5FFFF;
	_ =	strace $0x90000046  }
0xb2: {  	s29 =	simm.s32 $0x9;
	_ =	strace $0x80000048  }
0xb3: {  	_ =	swait.ge [sflag:s29], $0x1  }
0xb4: {  	[sflag:s29] =	ssyncadd.s32 $0xFFFFFFFF  }
0xb5: {  	_ =	strace $0x90000048  }
0xb6: {  	_ =	sfence  }
0xb7: {  	s30 =	sld [smem:$0x0];
	_ =	sdelay $0x2  }
0xb8: {  	s31 =	sshll.u32 s1, $0xD;
	s1 =	sshrl.u32 s1, $0x2  }
0xb9: {  	s3 =	sand.u32 $0x4000, s31;
	s1 =	sadd.s32 s1, s30  }
0xba: {  	s0 =	sor.u32 s3, s0;
	s1 =	sshll.u32 s1, $0x11  }
0xbb: {  	s0 =	sor.u32 s1, s0  }
0xbc: {  	s0 =	sadd.s32 $0x8F2B, s0  }
0xbd: {  	[sflag:s0] =	ssyncadd.remote.s32 $0x1  }
0xbe: {  	_ =	sfence.sel $0xFFFF  }
0xbf: {  	[dreg:$0x0] =	wrdreg $0xFFFFFFFF;
	(pc) =	sbr.abs _section_cstart, $3  }
0xc0: {  	[dreg:$0x1] =	wrdreg $0xFFFFFFFF  }
0xc1: {  	_ =	task.clear_ibuf [dreg:s6], $0x2FFFF;
	_ =	strace $0x9FFFFFFF  }
0xc2: {  	(tm) =	ssettm $0x7FFFFFFF  }
0xc3: {  	_ =	shalt  }
tec
execute0_lowered:
.L_overlay_start_1:
0x0: {  	(tag) =	ssettag $0x1  }
0x1: {  	s0 =	rddreg [dreg:$0x0]  }
0x2: {  	s2 =	rddreg [dreg:$0x1]  }
0x3: {  	s3 =	simm.s32 $0x0;
	s1 =	srdreg.scid;
	s12 =	stileid.u32  }
0x4: {  	s13 =	simm.s32 $0x1900;
	s16 =	simm.s32 $0x80;
	s17 =	simm.s32 $0xF200  }
0x5: {  	s19 =	simm.s32 $0x11200;
	s20 =	simm.s32 $0x1;
	s21 =	simm.s32 $0x13200  }
0x6: {  	s22 =	simm.s32 $0x2;
	s23 =	simm.s32 $0x0;
	s1 =	sand.u32 $0x1, s1  }
0x7: {  	s4 =	smul.u32 $0x30, s12;
	s5 =	sshll.u32 s12, $0x5;
	[smem:$0x7FF] =	sst s3  }
0x8: {  	s9 =	smul.u32 $0x7680, s12;
	s31 =	sshll.u32 s12, $0x6;
	s12 =	simm.s32 $0x3  }
0x9: {  	p0 =	seq.s32 s1, $0x0;
	s5 =	sadd.s32 $0x300, s5;
	_ =	strace $0x80000047  }
0xa: {  	s6 =	smul.u32 $0x76800, s1;
	s1 =	ssub.s32 $0x2, s1;
	s14 =	sor.u32 $0x1C03, s31  }
0xb: {  	s5 =	smov.u32 @p0 s4;
	s26 =	sshrl.u32 s9, $0x3;
	s29 =	sshrl.u32 s1, $0x1  }
0xc: {  	s15 =	sadd.s32 s9, s2;
	s4 =	sshll.u32 s5, $0x4;
	s5 =	sshll.u32 s5, $0x7  }
0xd: {  	s6 =	sadd.s32 s9, s6;
	s10 =	sadd.s32 s26, s0;
	s1 =	ssub.s32 s1, s29  }
0xe: {  	s15 =	sshrl.u32 s15, $0x3;
	s7 =	sadd.s32 s4, s0;
	s8 =	sadd.s32 s5, s0  }
0xf: {  	s4 =	sadd.s32 $0x29400, s0;
	s28 =	sshrl.u32 s6, $0x3;
	s9 =	sadd.s32 $0x47200, s10  }
0x10: {  	s11 =	smax.u32 s1, $0x1;
	s0 =	sadd.s32 s28, s0;
	s30 =	sadd.s32 $0x42000, s7  }
0x11: {  	s6 =	sadd.s32 $0x3CE00, s7;
	s7 =	sadd.s32 $0x800, s8;
	s8 =	simm.s32 $0x18  }
0x12: {  	[dreg:$0x3] =	wrdreg s30;
	s8 =	simm.s32 @!p0 $0x10;
	s10 =	sadd.s32 $0x56000, s0  }
.LBB2_1:
0x13: {  	s0 =	rddreg [dreg:$0x3]  }
0x14: {  	[tilespmem:s3], [sflag:$0x3] =	stream.linear.gather [hbm4b:s0+s3], $0x1900, $0x38;
	[tilespmem:$0x1C080] =	vst v63  }
0x15: {  	_ =	swait.ge [sflag:s12], $0x1900  }
0x16: {  	[sflag:s12] =	ssyncset.done $0x0  }
0x17: {  	[sflag:s12] =	ssyncadd.s32 $0xFFFFE700  }
0x18: {  	[tilespmem:s13], [sflag:$0x3] =	stream.linear.gather [hbm4b:s6+s3], $0x1900, $0x38;
	[tilespmem:$0x1C080] =	vst v63  }
0x19: {  	_ =	swait.ge [sflag:s12], $0x1900  }
0x1a: {  	[sflag:s12] =	ssyncset.done $0x0  }
0x1b: {  	s24 =	simm.s32 $0x3200;
	[sflag:s12] =	ssyncadd.s32 $0xFFFFE700  }
0x1c: {  	[tilespmem:s24], [sflag:$0x3] =	stream.linear.gather [hbm4b:s7+s3], $0xC000, $0x38;
	[tilespmem:$0x1C080] =	vst v63  }
0x1d: {  	_ =	swait.ge [sflag:s12], $0xC000  }
0x1e: {  	[sflag:s12] =	ssyncset.done $0x0  }
0x1f: {  	[sflag:s12] =	ssyncadd.s32 $0xFFFF4000  }
0x20: {  	[spmem:s15], [sflag:s14] =	dma.local [hbm:s9], $0xED0  }
0x21: {  	_ =	swait.ge [sflag:s12], $0xED0  }
0x22: {  	[sflag:s12] =	ssyncset.done $0x0  }
0x23: {  	[sflag:s12] =	ssyncadd.s32 $0xFFFFF130  }
0x24: {  	[bflag:$0x0] =	sbarrier.arrive $0xFFFF  }
0x25: {  	[tilespmem:s17], [sflag:$0x1] =	stream.indirect.gather [hbm4b:s4+s16], $0x40, s13, s16, $0xb8;
	[tilespmem:$0x1C080] =	vst v63  }
0x26: {  	s31 =	simm.s32 $0x1980;
	s25 =	simm.s32 $0x3600;
	s26 =	simm.s32 $0x0  }
0x27: {  	[tilespmem:s19], [sflag:$0x2] =	stream.indirect.gather [hbm4b:s4+s16], $0x40, s31, s16, $0xb8;
	[tilespmem:$0x1C080] =	vst v63  }
.LBB2_2:
0x28: {  	v0 =	vmov s24;
	_ =	sdelay $0x1  }
0x29: {  	_ =	swait.ge [sflag:s20], $0x2000  }
0x2a: {  	[sflag:s20] =	ssyncset.done $0x0  }
0x2b: {  	s0 =	simm.s32 $0x0;
	[sflag:s20] =	ssyncadd.s32 $0xFFFFE000  }
0x2c: {  	s28 =	simm.s32 $0xF240;
	v1 =	vld.idx.msk [tilespmem:v0+s0+$0x0 ss:$0x1], $0xffff  }
0x2d: {  	v2 =	vld [tilespmem:s28+$0xFFFFFFC0]  }
0x2e: {  	v3 =	vld [tilespmem:s28+$0xFFFFFFE0]  }
0x2f: {  	v4 =	vld [tilespmem:s28+$0xFFFFFFD0]  }
0x30: {  	v5 =	vld [tilespmem:s28+$0xFFFFFFF0]  }
0x31: {  	v6 =	vbroadcast v1, $0x2;
	v7 =	vbroadcast v1, $0x4  }
0x32: {  	v8 =	vbroadcast v1, $0x0;
	v9 =	vbroadcast v1, $0x6  }
0x33: {  	v10 =	vbroadcast v1, $0x5;
	v11 =	vbroadcast v1, $0x7  }
0x34: {  	v2 =	vmul.f32 v2, v8;
	v4 =	vmul.f32 v4, v6  }
0x35: {  	v60 =	vmul.f32 v3, v7;
	v61 =	vmul.f32 v5, v9  }
0x36: {  	v3 =	vmul.f32 v3, v10;
	v62 =	vmul.f32 v5, v11;
	v2 =	vadd.f32 v4, v2  }
0x37: {  	s29 =	simm.s32 $0x13230;
	v63 =	vadd.f32 v61, v60  }
0x38: {  	[tilespmem:s29+$0xFFFFFFD0] =	vst v2;
	v2 =	vadd.f32 v62, v3  }
0x39: {  	s1 =	simm.s32 $0x13230;
	s30 =	simm.s32 $0xF240;
	s0 =	simm.s32 $0x40;
	[tilespmem:s29+$0xFFFFFFE0] =	vst v63  }
.LBB2_3:
0x3a: {  	p0 =	sne.s32 s0, $0xFC0;
	[tilespmem:s29+$0xFFFFFFF0] =	vst v2;
	s28 =	sadd.s32 $0x80, s28;
	s1 =	sadd.s32 $0x60, s1  }
0x3b: {  	s18 =	smov.u32 s0;
	s0 =	sadd.s32 $0x40, s0;
	v2 =	vld [tilespmem:s30+$0x30]  }
0x3c: {  	v3 =	vld [tilespmem:s30+$0x20]  }
0x3d: {  	v5 =	vbroadcast v1, $0x8;
	v6 =	vbroadcast v1, $0xA;
	v4 =	vld [tilespmem:s30+$0x10]  }
0x3e: {  	v8 =	vbroadcast v1, $0xE;
	v9 =	vbroadcast v1, $0xF;
	v7 =	vld [tilespmem:s30+$0x0];
	s30 =	smov.u32 s28  }
0x3f: {  	v10 =	vbroadcast v1, $0xC;
	v1 =	vbroadcast v1, $0xD  }
0x40: {  	v8 =	vmul.f32 v2, v8;
	v2 =	vmul.f32 v2, v9  }
0x41: {  	s18 =	sshra.s32 s18, $0x2;
	v9 =	vmul.f32 v3, v10;
	v1 =	vmul.f32 v3, v1  }
0x42: {  	v3 =	vmul.f32 v4, v6  }
0x43: {  	v4 =	vmul.f32 v7, v5;
	v5 =	vadd.f32 v8, v9;
	v1 =	vadd.f32 v2, v1;
	_ =	sdelay $0x1  }
0x44: {  	v2 =	vadd.f32 v3, v4;
	[tilespmem:s29+$0x10] =	vst v5  }
0x45: {  	[tilespmem:s29+$0x20] =	vst v1  }
0x46: {  	[tilespmem:s29+$0x0] =	vst v2;
	s29 =	smov.u32 s1  }
0x47: {  	v1 =	vld.idx.msk [tilespmem:v0+s18+$0x0 ss:$0x1], $0xffff  }
0x48: {  	v2 =	vld [tilespmem:s28+$0xFFFFFFC0]  }
0x49: {  	v3 =	vld [tilespmem:s28+$0xFFFFFFE0];
	_ =	sdelay $0x1  }
0x4a: {  	v4 =	vld [tilespmem:s28+$0xFFFFFFD0]  }
0x4b: {  	v5 =	vld [tilespmem:s28+$0xFFFFFFF0]  }
0x4c: {  	v6 =	vbroadcast v1, $0x2;
	v7 =	vbroadcast v1, $0x4  }
0x4d: {  	v8 =	vbroadcast v1, $0x0;
	v9 =	vbroadcast v1, $0x6  }
0x4e: {  	v10 =	vbroadcast v1, $0x5;
	v11 =	vbroadcast v1, $0x7  }
0x4f: {  	v2 =	vmul.f32 v2, v8;
	v4 =	vmul.f32 v4, v6  }
0x50: {  	v6 =	vmul.f32 v3, v10;
	v8 =	vmul.f32 v5, v11  }
.Ltmp0:
0x51: {  	v3 =	vmul.f32 v3, v7;
	v5 =	vmul.f32 v5, v9;
	(pc) =	sbr.rel @p0 .LBB2_3-.Ltmp0, $4  }
0x52: {  	v4 =	vadd.f32 v4, v2;
	v2 =	vadd.f32 v8, v6  }
0x53: {  	v3 =	vadd.f32 v5, v3  }
0x54: {  	[tilespmem:s1+$0xFFFFFFD0] =	vst v4  }
0x55: {  	[tilespmem:s1+$0xFFFFFFE0] =	vst v3  }
0x56: {  	[tilespmem:s29+$0xFFFFFFF0] =	vst v2  }
0x57: {  	v0 =	vld [tilespmem:s30+$0x30]  }
0x58: {  	v2 =	vld [tilespmem:s30+$0x20]  }
0x59: {  	v3 =	vld [tilespmem:s30+$0x10]  }
0x5a: {  	v4 =	vbroadcast v1, $0x8;
	v5 =	vbroadcast v1, $0xA;
	v6 =	vld [tilespmem:s30+$0x0]  }
0x5b: {  	v7 =	vbroadcast v1, $0xE;
	v8 =	vbroadcast v1, $0xC  }
0x5c: {  	v9 =	vbroadcast v1, $0xF;
	v1 =	vbroadcast v1, $0xD  }
0x5d: {  	v7 =	vmul.f32 v0, v7;
	v8 =	vmul.f32 v2, v8  }
0x5e: {  	v0 =	vmul.f32 v0, v9;
	v1 =	vmul.f32 v2, v1  }
0x5f: {  	v2 =	vmul.f32 v3, v5;
	v3 =	vmul.f32 v6, v4;
	v53 =	vadd.f32 v7, v8  }
0x60: {  	v0 =	vadd.f32 v0, v1  }
0x61: {  	s0 =	sshll.u32 s26, $0xA;
	v1 =	vadd.f32 v2, v3;
	[tilespmem:s29+$0x10] =	vst v53  }
0x62: {  	s28 =	sshra.s32 s0, $0x2;
	[tilespmem:s29+$0x20] =	vst v0  }
0x63: {  	s0 =	sadd.s32 $0x1A00, s28;
	[tilespmem:s29+$0x0] =	vst v1  }
0x64: {  	[tilespmem:s17], [sflag:$0x1] =	stream.indirect.gather [hbm4b:s4+s16], $0x40, s0, s16, $0xb8;
	[tilespmem:$0x1C080] =	vst v63  }
0x65: {  	_ = 	snop  }
0x66: {  	[spmem:s2] =	stream.indirect.scatter.add.f32 [tilespmem:s21], [sflag:$0x3], $0x30, s28, s16, $0xb8;
	[tilespmem:$0x1C080] =	vst v63  }
0x67: {  	_ =	swait.ge [sflag:s12], $0x1800  }
0x68: {  	v0 =	vmov s25;
	[sflag:s12] =	ssyncset.done $0x0  }
0x69: {  	[sflag:s12] =	ssyncadd.s32 $0xFFFFE800  }
0x6a: {  	_ =	swait.ge [sflag:s22], $0x2000  }
0x6b: {  	[sflag:s22] =	ssyncset.done $0x0  }
0x6c: {  	s18 =	simm.s32 $0x0;
	[sflag:s22] =	ssyncadd.s32 $0xFFFFE000  }
0x6d: {  	s31 =	simm.s32 $0x11240;
	v1 =	vld.idx.msk [tilespmem:v0+s18+$0x0 ss:$0x1], $0xffff  }
0x6e: {  	v2 =	vld [tilespmem:s31+$0xFFFFFFC0]  }
0x6f: {  	v3 =	vld [tilespmem:s31+$0xFFFFFFE0]  }
0x70: {  	v54 =	vld [tilespmem:s31+$0xFFFFFFD0]  }
0x71: {  	v55 =	vld [tilespmem:s31+$0xFFFFFFF0]  }
0x72: {  	v56 =	vbroadcast v1, $0x2;
	v57 =	vbroadcast v1, $0x4  }
0x73: {  	v58 =	vbroadcast v1, $0x0;
	v59 =	vbroadcast v1, $0x6  }
0x74: {  	v10 =	vbroadcast v1, $0x5;
	v11 =	vbroadcast v1, $0x7  }
0x75: {  	v2 =	vmul.f32 v2, v58;
	v4 =	vmul.f32 v54, v56  }
0x76: {  	v60 =	vmul.f32 v3, v57;
	v61 =	vmul.f32 v55, v59  }
0x77: {  	v3 =	vmul.f32 v3, v10;
	v62 =	vmul.f32 v55, v11;
	v2 =	vadd.f32 v4, v2  }
0x78: {  	s29 =	simm.s32 $0x13230;
	v63 =	vadd.f32 v61, v60  }
0x79: {  	s1 =	simm.s32 $0x40;
	[tilespmem:s29+$0xFFFFFFD0] =	vst v2;
	v2 =	vadd.f32 v62, v3  }
0x7a: {  	s30 =	sshllo.u32 s26, $0x1;
	s0 =	simm.s32 $0x11240;
	s18 =	simm.s32 $0x13230;
	[tilespmem:s29+$0xFFFFFFE0] =	vst v63  }
.LBB2_5:
0x7b: {  	p0 =	sne.s32 s1, $0xFC0;
	[tilespmem:s29+$0xFFFFFFF0] =	vst v2;
	s31 =	sadd.s32 $0x80, s31;
	s18 =	sadd.s32 $0x60, s18  }
0x7c: {  	s5 =	smov.u32 s1;
	s1 =	sadd.s32 $0x40, s1;
	v2 =	vld [tilespmem:s0+$0x30]  }
0x7d: {  	v3 =	vld [tilespmem:s0+$0x20]  }
0x7e: {  	v5 =	vbroadcast v1, $0x8;
	v6 =	vbroadcast v1, $0xA;
	v4 =	vld [tilespmem:s0+$0x10]  }
0x7f: {  	v8 =	vbroadcast v1, $0xE;
	v9 =	vbroadcast v1, $0xF;
	v7 =	vld [tilespmem:s0+$0x0];
	s0 =	smov.u32 s31  }
0x80: {  	v10 =	vbroadcast v1, $0xC;
	v1 =	vbroadcast v1, $0xD  }
0x81: {  	v8 =	vmul.f32 v2, v8;
	v2 =	vmul.f32 v2, v9  }
0x82: {  	s5 =	sshra.s32 s5, $0x2;
	v9 =	vmul.f32 v3, v10;
	v1 =	vmul.f32 v3, v1  }
0x83: {  	v3 =	vmul.f32 v4, v6  }
0x84: {  	v4 =	vmul.f32 v7, v5;
	v5 =	vadd.f32 v8, v9;
	v1 =	vadd.f32 v2, v1;
	_ =	sdelay $0x1  }
0x85: {  	v2 =	vadd.f32 v3, v4;
	[tilespmem:s29+$0x10] =	vst v5  }
0x86: {  	[tilespmem:s29+$0x20] =	vst v1  }
0x87: {  	[tilespmem:s29+$0x0] =	vst v2;
	s29 =	smov.u32 s18  }
0x88: {  	v1 =	vld.idx.msk [tilespmem:v0+s5+$0x0 ss:$0x1], $0xffff  }
0x89: {  	v2 =	vld [tilespmem:s31+$0xFFFFFFC0]  }
0x8a: {  	v3 =	vld [tilespmem:s31+$0xFFFFFFE0];
	_ =	sdelay $0x1  }
0x8b: {  	v4 =	vld [tilespmem:s31+$0xFFFFFFD0]  }
0x8c: {  	v5 =	vld [tilespmem:s31+$0xFFFFFFF0]  }
0x8d: {  	v6 =	vbroadcast v1, $0x2;
	v7 =	vbroadcast v1, $0x4  }
0x8e: {  	v8 =	vbroadcast v1, $0x0;
	v9 =	vbroadcast v1, $0x6  }
0x8f: {  	v10 =	vbroadcast v1, $0x5;
	v11 =	vbroadcast v1, $0x7  }
0x90: {  	v2 =	vmul.f32 v2, v8;
	v4 =	vmul.f32 v4, v6  }
0x91: {  	v6 =	vmul.f32 v3, v10;
	v8 =	vmul.f32 v5, v11  }
.Ltmp1:
0x92: {  	v3 =	vmul.f32 v3, v7;
	v5 =	vmul.f32 v5, v9;
	(pc) =	sbr.rel @p0 .LBB2_5-.Ltmp1, $4  }
0x93: {  	v4 =	vadd.f32 v4, v2;
	v2 =	vadd.f32 v8, v6  }
0x94: {  	v3 =	vadd.f32 v5, v3  }
0x95: {  	[tilespmem:s18+$0xFFFFFFD0] =	vst v4  }
0x96: {  	[tilespmem:s18+$0xFFFFFFE0] =	vst v3  }
0x97: {  	[tilespmem:s29+$0xFFFFFFF0] =	vst v2  }
0x98: {  	v0 =	vld [tilespmem:s0+$0x30]  }
0x99: {  	v2 =	vld [tilespmem:s0+$0x20]  }
0x9a: {  	v3 =	vld [tilespmem:s0+$0x10]  }
0x9b: {  	v4 =	vbroadcast v1, $0x8;
	v5 =	vbroadcast v1, $0xA;
	v6 =	vld [tilespmem:s0+$0x0]  }
0x9c: {  	v7 =	vbroadcast v1, $0xE;
	v8 =	vbroadcast v1, $0xC  }
0x9d: {  	v9 =	vbroadcast v1, $0xF;
	v59 =	vbroadcast v1, $0xD  }
0x9e: {  	v7 =	vmul.f32 v0, v7;
	v8 =	vmul.f32 v2, v8  }
0x9f: {  	v0 =	vmul.f32 v0, v9;
	v1 =	vmul.f32 v2, v59  }
0xa0: {  	v60 =	vmul.f32 v3, v5;
	v61 =	vmul.f32 v6, v4;
	v62 =	vadd.f32 v7, v8  }
0xa1: {  	v0 =	vadd.f32 v0, v1  }
0xa2: {  	v63 =	vadd.f32 v60, v61;
	[tilespmem:s29+$0x10] =	vst v62  }
0xa3: {  	s26 =	sadd.s32 $0x1, s26;
	[tilespmem:s29+$0x20] =	vst v0  }
0xa4: {  	s31 =	sshll.u32 s30, $0x9;
	p0 =	sne.s32 s26, s8;
	[tilespmem:s29+$0x0] =	vst v63;
	s29 =	sadd.s32 $0x1A80, s28  }
0xa5: {  	[tilespmem:s19], [sflag:$0x2] =	stream.indirect.gather [hbm4b:s4+s16], $0x40, s29, s16, $0xb8;
	[tilespmem:$0x1C080] =	vst v63  }
.Ltmp2:
0xa6: {  	s0 =	sshra.s32 s31, $0x2;
	(pc) =	sbr.rel @p0 .LBB2_2-.Ltmp2, $4  }
0xa7: {  	[spmem:s2] =	stream.indirect.scatter.add.f32 [tilespmem:s21], [sflag:$0x3], $0x30, s0, s16, $0xb8;
	[tilespmem:$0x1C080] =	vst v63  }
0xa8: {  	_ =	swait.ge [sflag:s12], $0x1800  }
0xa9: {  	[sflag:s12] =	ssyncset.done $0x0  }
0xaa: {  	s24 =	sadd.s32 $0x800, s24;
	s25 =	sadd.s32 $0x800, s25;
	[sflag:s12] =	ssyncadd.s32 $0xFFFFE800  }
0xab: {  	_ =	swait.ge [sflag:s20], $0x2000  }
0xac: {  	[sflag:s20] =	ssyncset.done $0x0  }
0xad: {  	[sflag:s20] =	ssyncadd.s32 $0xFFFFE000  }
0xae: {  	_ =	swait.ge [sflag:s22], $0x2000  }
0xaf: {  	s23 =	sadd.s32 $0x1, s23;
	[sflag:s22] =	ssyncset.done $0x0  }
0xb0: {  	p0 =	sne.s32 s23, s11;
	[sflag:s22] =	ssyncadd.s32 $0xFFFFE000  }
.Ltmp3:
0xb1: {  	[bflag:$0x0] =	sbarrier.arrive $0xFFFF;
	(pc) =	sbr.rel @p0 .LBB2_1-.Ltmp3, $4  }
0xb2: {  	[hbm:s10], [sflag:s14] =	dma.local [spmem:s15], $0xED0  }
0xb3: {  	_ =	swait.ge [sflag:s12], $0xED0  }
0xb4: {  	[sflag:s12] =	ssyncset.done $0x0  }
0xb5: {  	[sflag:s12] =	ssyncadd.s32 $0xFFFFF130  }
0xb6: {  	_ =	sfence.sel $0x180000  }
0xb7: {  	[bflag:$0x0] =	sbarrier.arrive $0xFFFF  }
0xb8: {  	_ =	strace $0x90000047  }
0xb9: {  	s0 =	stileid.u32;
	[bflag:$0x2] =	sbarrier.arrive $0xFFFF  }
0xba: {  	p0 =	sne.s32 s0, $0x0;
	s0 =	rddreg [dreg:$0x2]  }
0xbb: {  	s0 =	sadd.s32 @!p0 $0x100000, s0  }
0xbc: {  	[sflag:s0] =	ssyncadd.tile.s32 @!p0 $0x1;
	_ =	shalt  }
.Lfunc_end2:
_tile_overlayer_lowered:
.L_overlay_start_2:
0xbd: {  	(tag) =	ssettag $0x2  }
0xbe: {  	s0 =	rddreg [dreg:$0x0];
	s2 =	stileid.u32  }
0xbf: {  	s1 =	rddreg [dreg:$0x1];
	p0 =	sne.s32 s2, $0x0  }
0xc0: {  	s3 =	rddreg [dreg:$0x2];
	[bflag:$0x3] =	sbarrier.arrive $0xFFFF;
	s2 =	simm.s32 @!p0 $0x1C03  }
0xc1: {  	[timem:s3], [sflag:s2] =	dma.local @!p0 [hbm:s0], s1  }
0xc2: {  	s0 =	simm.s32 @!p0 $0x3  }
0xc3: {  	_ =	swait.ge @!p0 [sflag:s0], s1  }
0xc4: {  	s1 =	ssub.s32 @!p0 $0x0, s1;
	[sflag:s0] =	ssyncset.done @!p0 $0x0  }
0xc5: {  	[sflag:s0] =	ssyncadd.s32 @!p0 s1  }
0xc6: {  	[bflag:$0x3] =	sbarrier.arrive $0xFFFF  }
0xc7: {  	_ =	shalt  }

</sc_bundles>
